<compile_context>
chip_gen: v7x
topology: tpu7x:2x2x1
jax: 0.10.2.dev20260603
libtpu: 0.0.44.dev20260713+nightly
codegen_flags: <defaults>
</compile_context>

<pallas_src>
import functools

import jax
import jax.numpy as jnp
from jax import lax
from jax.experimental import pallas as pl
from jax.experimental.pallas import tpu as pltpu
from jax.experimental.pallas import tpu_sc as plsc

N_NODES = 10000
N_NODES_P = 10240
N_EDGES = 320000
PER_TILE = N_EDGES // 32
SL = N_NODES_P // 16

_MESH = plsc.VectorSubcoreMesh(core_axis_name="c", subcore_axis_name="s")


@functools.partial(
    pl.kernel,
    mesh=_MESH,
    compiler_params=pltpu.CompilerParams(needs_layout_passes=False),
    out_type=jax.ShapeDtypeStruct((2, N_NODES_P), jnp.float32),
    scratch_types=[
        pltpu.VMEM((2, 10240), jnp.int32),
        pltpu.VMEM((N_NODES_P,), jnp.float32),
        pltpu.VMEM((16, SL), jnp.float32),
        pltpu.VMEM((SL,), jnp.float32),
        pltpu.VMEM_SHARED((16, N_NODES_P), jnp.float32),
        pltpu.SemaphoreType.DMA,
    ],
)
def _sc_degree_hist(edges_hbm, out_hbm, idx_v, hist_v, comb_v, acc_v, hists_sh, sem):
    c = lax.axis_index("c")
    s = lax.axis_index("s")
    w = c * 16 + s
    start = w * PER_TILE
    aligned = jnp.minimum((start // 128) * 128, N_EDGES - 10240)
    off = start - aligned
    cp = pltpu.async_copy(
        edges_hbm.at[:, pl.ds(aligned, 10240)], idx_v, sem)

    zeros16 = jnp.zeros((16,), jnp.float32)
    ones16 = jnp.ones((16,), jnp.float32)

    @plsc.parallel_loop(0, N_NODES_P // 16, unroll=8)
    def _(j):
        hist_v[pl.ds(j * 16, 16)] = zeros16

    cp.wait()

    @plsc.parallel_loop(0, PER_TILE // 16, unroll=8)
    def _(j):
        idx16 = idx_v[1, pl.ds(off + j * 16, 16)]
        plsc.addupdate_scatter(hist_v, [idx16], ones16)

    pltpu.sync_copy(hist_v, hists_sh.at[s])
    plsc.subcore_barrier()
    pltpu.sync_copy(hists_sh.at[:, pl.ds(s * SL, SL)], comb_v)

    @plsc.parallel_loop(0, SL // 16, unroll=4)
    def _(i):
        acc = comb_v[0, pl.ds(i * 16, 16)]
        for r in range(1, 16):
            acc = acc + comb_v[r, pl.ds(i * 16, 16)]
        acc_v[pl.ds(i * 16, 16)] = acc

    pltpu.sync_copy(acc_v, out_hbm.at[c, pl.ds(s * SL, SL)])


_TC_CH = 1024
_TC_NCH = 10


def _tc_linear_body(part_ref, w_ref, b_ref, out_ref, acc_ref, sem):
    s_row = jnp.sum(w_ref[...], axis=1)
    s_rep = jnp.broadcast_to(s_row[None, :], (2, 128))
    bias = b_ref[...]
    cps = []
    for k in range(_TC_NCH):
        deg2 = part_ref[:, k * _TC_CH:(k + 1) * _TC_CH]
        acc = lax.dot_general(
            deg2, s_rep, (((0,), (0,)), ((), ())),
            preferred_element_type=jnp.float32,
        ) + bias
        acc_ref[k] = acc
        rows = min(N_NODES - k * _TC_CH, _TC_CH)
        cps.append(pltpu.async_copy(
            acc_ref.at[k, pl.ds(0, rows)],
            out_ref.at[pl.ds(k * _TC_CH, rows)], sem))
    for cp in cps:
        cp.wait()


def kernel(edge_index, W, b):
    part = _sc_degree_hist(edge_index)

    out = pl.pallas_call(
        _tc_linear_body,
        out_shape=jax.ShapeDtypeStruct((N_NODES, 128), jnp.float32),
        out_specs=pl.BlockSpec(memory_space=pl.ANY),
        scratch_shapes=[
            pltpu.VMEM((_TC_NCH, _TC_CH, 128), jnp.float32),
            pltpu.SemaphoreType.DMA,
        ],
    )(part, W, b.reshape(1, 128))
    return out

# --- scband reference (transcript-rebuilt; emitter-appended) ---
"""Pipeline reference for scband-mpuno-layer-463856468209 (READ-ONLY COPY).

The authoritative reference and input builder live on the scoring server;
editing this copy changes nothing except your own understanding.
"""

import jax, jax.numpy as jnp
import numpy as np

N_NODES = 10000
IN_FEAT = 128
OUT_FEAT = 128
N_EDGES = 320000

def setup_inputs(seed: int = 0) -> dict:
    key = jax.random.key(seed)
    k1, k2, k3 = jax.random.split(key, 3)
    edge_index = jax.random.randint(k1, (2, N_EDGES), 0, N_NODES, dtype=jnp.int64 if jax.config.jax_enable_x64 else jnp.int32).astype(jnp.int32)
    # Linear layer params (nn.Linear(in_feat, out_feat))
    bound = 1.0 / np.sqrt(IN_FEAT)
    W = jax.random.uniform(k2, (OUT_FEAT, IN_FEAT), minval=-bound, maxval=bound, dtype=jnp.float32)
    b = jax.random.uniform(k3, (OUT_FEAT,), minval=-bound, maxval=bound, dtype=jnp.float32)
    return {"edge_index": edge_index, "W": W, "b": b}

def reference(edge_index, W, b):
    # g.ndata['h'] = 1  -> node feature of ones, shape [N, in_feat]
    h = jnp.ones((N_NODES, IN_FEAT), dtype=jnp.float32)
    src = edge_index[0]
    dst = edge_index[1]
    # message: copy_u('h','m') -> gather source node features per edge
    msgs = jnp.take(h, src, axis=0)
    # reduce: fn.sum('m','h_N') -> scatter-add messages to destination nodes
    h_N = jax.ops.segment_sum(msgs, dst, num_segments=N_NODES)
    # self.linear(h_N)
    return h_N @ W.T + b

if __name__ == "__main__":
    import jax
    _d = setup_inputs()
    print(jax.jit(kernel)(*tuple(_d.values())))

</pallas_src>

<mosaic_0001>
#map = affine_map<(d0, d1) -> (0, 0)>
module attributes {stable_mosaic.version = 14 : i64} {
  func.func @_sc_degree_hist(%arg0: i32, %arg1: i32, %arg2: memref<2x320000xi32, #tpu.memory_space<hbm>>, %arg3: memref<2x10240xf32, #tpu.memory_space<hbm>>, %arg4: memref<2x10240xi32, #tpu.memory_space<vmem>>, %arg5: memref<10240xf32, #tpu.memory_space<vmem>>, %arg6: memref<16x640xf32, #tpu.memory_space<vmem>>, %arg7: memref<640xf32, #tpu.memory_space<vmem>>, %arg8: memref<16x10240xf32, #tpu.memory_space<vmem_shared>>, %arg9: memref<!tpu.dma_semaphore, #tpu.memory_space<semaphore_mem>>) attributes {dimension_semantics = [#tpu.dimension_semantics<core_parallel>, #tpu.dimension_semantics<subcore_parallel>], iteration_bounds = array<i64: 2, 16>, scalar_prefetch = 0 : i64, scratch_operands = 6 : i64, tpu.core_type = #tpu.core_type<sc_vector_subcore>, window_params = [{transform_indices = #map}, {transform_indices = #map}]} {
    %mul3A = arith.constant 16 : i32
    %mul3A_0 = arith.muli %arg0, %mul3A : i32
    %add3A = arith.addi %mul3A_0, %arg1 : i32
    %mul3A_1 = arith.constant 10000 : i32
    %mul3A_2 = arith.muli %add3A, %mul3A_1 : i32
    %jit3A = arith.constant 128 : i32
    %div3A = arith.divsi %mul3A_2, %jit3A : i32
    %sign3A = arith.constant 0 : i32
    %sign3A_3 = arith.cmpi sgt, %mul3A_2, %sign3A : i32
    %sign3A_4 = arith.extui %sign3A_3 : i1 to i32
    %sign3A_5 = arith.constant 0 : i32
    %sign3A_6 = arith.cmpi slt, %mul3A_2, %sign3A_5 : i32
    %sign3A_7 = arith.extui %sign3A_6 : i1 to i32
    %sign3A_8 = arith.subi %sign3A_4, %sign3A_7 : i32
    %sign3A_9 = arith.constant 0 : i32
    %sign3A_10 = arith.cmpi sgt, %jit3A, %sign3A_9 : i32
    %sign3A_11 = arith.extui %sign3A_10 : i1 to i32
    %sign3A_12 = arith.constant 0 : i32
    %sign3A_13 = arith.cmpi slt, %jit3A, %sign3A_12 : i32
    %sign3A_14 = arith.extui %sign3A_13 : i1 to i32
    %sign3A_15 = arith.subi %sign3A_11, %sign3A_14 : i32
    %ne3A = arith.cmpi ne, %sign3A_8, %sign3A_15 : i32
    %rem3A = arith.remsi %mul3A_2, %jit3A : i32
    %ne3A_16 = arith.constant 0 : i32
    %ne3A_17 = arith.cmpi ne, %rem3A, %ne3A_16 : i32
    %and3A = arith.andi %ne3A, %ne3A_17 : i1
    %sub3A = arith.constant 1 : i32
    %sub3A_18 = arith.subi %div3A, %sub3A : i32
    %select_n3A = arith.select %and3A, %sub3A_18, %div3A : i32
    %mul3A_19 = arith.constant 128 : i32
    %mul3A_20 = arith.muli %select_n3A, %mul3A_19 : i32
    %min3A = arith.constant 309760 : i32
    %min3A_21 = arith.minsi %mul3A_20, %min3A : i32
    %sub3A_22 = arith.subi %mul3A_2, %min3A_21 : i32
    %dma_start3A = arith.constant 0 : i32
    %dma_start3A_23 = tpu.memref_slice %arg2[%dma_start3A, %min3A_21] : memref<2x320000xi32, #tpu.memory_space<hbm>> -> memref<2x10240xi32, #tpu.memory_space<hbm>>
    %dma_start3A_24 = arith.constant 0 : i32
    %dma_start3A_25 = tpu.memref_slice %arg2[%dma_start3A_24, %min3A_21] : memref<2x320000xi32, #tpu.memory_space<hbm>> -> memref<2x10240xi32, #tpu.memory_space<hbm>>
    tpu.enqueue_dma source(%dma_start3A_25 : memref<2x10240xi32, #tpu.memory_space<hbm>>) target(%arg4 : memref<2x10240xi32, #tpu.memory_space<vmem>>) target_semaphore(%arg9 : memref<!tpu.dma_semaphore, #tpu.memory_space<semaphore_mem>>)
    %broadcast_in_dim3A = arith.constant 0.000000e+00 : f32
    %broadcast_in_dim3A_26 = vector.broadcast %broadcast_in_dim3A : f32 to vector<16xf32>
    %broadcast_in_dim3A_27 = arith.constant 1.000000e+00 : f32
    %broadcast_in_dim3A_28 = vector.broadcast %broadcast_in_dim3A_27 : f32 to vector<16xf32>
    %parallel_loop3A = arith.constant 0 : i32
    %parallel_loop3A_29 = arith.constant 640 : i32
    %parallel_loop3A_30 = arith.constant 1 : i32
    scf.for %parallel_loop3A_44 = %parallel_loop3A to %parallel_loop3A_29 step %parallel_loop3A_30  : i32 {
      %parallel_loop3A_45 = arith.constant 16 : i32
      %parallel_loop3A_46 = arith.muli %parallel_loop3A_44, %parallel_loop3A_45 : i32
      %parallel_loop3A_47 = arith.index_cast %parallel_loop3A_46 : i32 to index
      %parallel_loop3A_48 = tpu.vector_load %arg5[%parallel_loop3A_47] {strides = array<i32>} : memref<10240xf32, #tpu.memory_space<vmem>>, vector<16xf32>,
      tpu.vector_store %arg5[%parallel_loop3A_47], %broadcast_in_dim3A_26 {strides = array<i32>} : memref<10240xf32, #tpu.memory_space<vmem>>, vector<16xf32>,
    } {sc.loop_unroll_factor = 8 : i64, sc.parallel_access}
    %dma_wait3A = arith.constant 0 : i32
    %dma_wait3A_31 = tpu.memref_slice %arg2[%dma_wait3A, %min3A_21] : memref<2x320000xi32, #tpu.memory_space<hbm>> -> memref<2x10240xi32, #tpu.memory_space<hbm>>
    %dma_wait3A_32 = arith.constant 0 : i32
    %dma_wait3A_33 = tpu.memref_slice %arg2[%dma_wait3A_32, %min3A_21] : memref<2x320000xi32, #tpu.memory_space<hbm>> -> memref<2x10240xi32, #tpu.memory_space<hbm>>
    tpu.wait_dma2 semaphore(%arg9 : memref<!tpu.dma_semaphore, #tpu.memory_space<semaphore_mem>>) src(%dma_wait3A_33 : memref<2x10240xi32, #tpu.memory_space<hbm>>) dst(%arg4 : memref<2x10240xi32, #tpu.memory_space<vmem>>)
    %parallel_loop3A_34 = arith.constant 0 : i32
    %parallel_loop3A_35 = arith.constant 625 : i32
    %parallel_loop3A_36 = arith.constant 1 : i32
    scf.for %parallel_loop3A_44 = %parallel_loop3A_34 to %parallel_loop3A_35 step %parallel_loop3A_36  : i32 {
      %parallel_loop3A_45 = arith.constant 16 : i32
      %parallel_loop3A_46 = arith.muli %parallel_loop3A_44, %parallel_loop3A_45 : i32
      %parallel_loop3A_47 = arith.addi %sub3A_22, %parallel_loop3A_46 : i32
      %parallel_loop3A_48 = arith.constant 1 : i32
      %parallel_loop3A_49 = arith.index_cast %parallel_loop3A_48 : i32 to index
      %parallel_loop3A_50 = arith.index_cast %parallel_loop3A_47 : i32 to index
      %parallel_loop3A_51 = tpu.vector_load %arg4[%parallel_loop3A_49, %parallel_loop3A_50] {strides = array<i32>} : memref<2x10240xi32, #tpu.memory_space<vmem>>, vector<16xi32>,
      tpu.vector_store_idx %arg5[%parallel_loop3A_51], %broadcast_in_dim3A_28 {add = true} : memref<10240xf32, #tpu.memory_space<vmem>>[vector<16xi32>], vector<16xf32>,
    } {sc.loop_unroll_factor = 8 : i64, sc.parallel_access}
    "tpu.region"() ({
      %run_scoped3A = tpu.sem_alloc : memref<!tpu.dma_semaphore, #tpu.memory_space<semaphore_mem>>
      %dma_start3A_44 = arith.constant 0 : i32
      %dma_start3A_45 = tpu.memref_slice %arg8[%arg1, %dma_start3A_44] : memref<16x10240xf32, #tpu.memory_space<vmem_shared>> -> memref<1x10240xf32, #tpu.memory_space<vmem_shared>>
      %dma_start3A_46 = tpu.memref_squeeze %dma_start3A_45 : memref<1x10240xf32, #tpu.memory_space<vmem_shared>> -> memref<10240xf32, #tpu.memory_space<vmem_shared>>
      %dma_start3A_47 = arith.constant 0 : i32
      %dma_start3A_48 = tpu.memref_slice %arg8[%arg1, %dma_start3A_47] : memref<16x10240xf32, #tpu.memory_space<vmem_shared>> -> memref<1x10240xf32, #tpu.memory_space<vmem_shared>>
      %dma_start3A_49 = tpu.memref_squeeze %dma_start3A_48 : memref<1x10240xf32, #tpu.memory_space<vmem_shared>> -> memref<10240xf32, #tpu.memory_space<vmem_shared>>
      tpu.enqueue_dma source(%arg5 : memref<10240xf32, #tpu.memory_space<vmem>>) target(%dma_start3A_49 : memref<10240xf32, #tpu.memory_space<vmem_shared>>) target_semaphore(%run_scoped3A : memref<!tpu.dma_semaphore, #tpu.memory_space<semaphore_mem>>)
      %dma_wait3A_50 = arith.constant 0 : i32
      %dma_wait3A_51 = tpu.memref_slice %arg8[%arg1, %dma_wait3A_50] : memref<16x10240xf32, #tpu.memory_space<vmem_shared>> -> memref<1x10240xf32, #tpu.memory_space<vmem_shared>>
      %dma_wait3A_52 = tpu.memref_squeeze %dma_wait3A_51 : memref<1x10240xf32, #tpu.memory_space<vmem_shared>> -> memref<10240xf32, #tpu.memory_space<vmem_shared>>
      %dma_wait3A_53 = arith.constant 0 : i32
      %dma_wait3A_54 = tpu.memref_slice %arg8[%arg1, %dma_wait3A_53] : memref<16x10240xf32, #tpu.memory_space<vmem_shared>> -> memref<1x10240xf32, #tpu.memory_space<vmem_shared>>
      %dma_wait3A_55 = tpu.memref_squeeze %dma_wait3A_54 : memref<1x10240xf32, #tpu.memory_space<vmem_shared>> -> memref<10240xf32, #tpu.memory_space<vmem_shared>>
      tpu.wait_dma2 semaphore(%run_scoped3A : memref<!tpu.dma_semaphore, #tpu.memory_space<semaphore_mem>>) src(%arg5 : memref<10240xf32, #tpu.memory_space<vmem>>) dst(%dma_wait3A_55 : memref<10240xf32, #tpu.memory_space<vmem_shared>>)
      tpu.yield
    }) : () -> ()
    %barrier3A = arith.constant 0 : index
    tpu.barrier barrier_id(%barrier3A)
    %mul3A_37 = arith.constant 640 : i32
    %mul3A_38 = arith.muli %arg1, %mul3A_37 : i32
    "tpu.region"() ({
      %run_scoped3A = tpu.sem_alloc : memref<!tpu.dma_semaphore, #tpu.memory_space<semaphore_mem>>
      %dma_start3A_44 = arith.constant 0 : i32
      %dma_start3A_45 = tpu.memref_slice %arg8[%dma_start3A_44, %mul3A_38] : memref<16x10240xf32, #tpu.memory_space<vmem_shared>> -> memref<16x640xf32, #tpu.memory_space<vmem_shared>>
      %dma_start3A_46 = arith.constant 0 : i32
      %dma_start3A_47 = tpu.memref_slice %arg8[%dma_start3A_46, %mul3A_38] : memref<16x10240xf32, #tpu.memory_space<vmem_shared>> -> memref<16x640xf32, #tpu.memory_space<vmem_shared>>
      tpu.enqueue_dma source(%dma_start3A_47 : memref<16x640xf32, #tpu.memory_space<vmem_shared>>) target(%arg6 : memref<16x640xf32, #tpu.memory_space<vmem>>) target_semaphore(%run_scoped3A : memref<!tpu.dma_semaphore, #tpu.memory_space<semaphore_mem>>)
      %dma_wait3A_48 = arith.constant 0 : i32
      %dma_wait3A_49 = tpu.memref_slice %arg8[%dma_wait3A_48, %mul3A_38] : memref<16x10240xf32, #tpu.memory_space<vmem_shared>> -> memref<16x640xf32, #tpu.memory_space<vmem_shared>>
      %dma_wait3A_50 = arith.constant 0 : i32
      %dma_wait3A_51 = tpu.memref_slice %arg8[%dma_wait3A_50, %mul3A_38] : memref<16x10240xf32, #tpu.memory_space<vmem_shared>> -> memref<16x640xf32, #tpu.memory_space<vmem_shared>>
      tpu.wait_dma2 semaphore(%run_scoped3A : memref<!tpu.dma_semaphore, #tpu.memory_space<semaphore_mem>>) src(%dma_wait3A_51 : memref<16x640xf32, #tpu.memory_space<vmem_shared>>) dst(%arg6 : memref<16x640xf32, #tpu.memory_space<vmem>>)
      tpu.yield
    }) : () -> ()
    %parallel_loop3A_39 = arith.constant 0 : i32
    %parallel_loop3A_40 = arith.constant 40 : i32
    %parallel_loop3A_41 = arith.constant 1 : i32
    scf.for %parallel_loop3A_44 = %parallel_loop3A_39 to %parallel_loop3A_40 step %parallel_loop3A_41  : i32 {
      %parallel_loop3A_45 = arith.constant 16 : i32
      %parallel_loop3A_46 = arith.muli %parallel_loop3A_44, %parallel_loop3A_45 : i32
      %parallel_loop3A_47 = arith.constant 0 : i32
      %parallel_loop3A_48 = arith.index_cast %parallel_loop3A_47 : i32 to index
      %parallel_loop3A_49 = arith.index_cast %parallel_loop3A_46 : i32 to index
      %parallel_loop3A_50 = tpu.vector_load %arg6[%parallel_loop3A_48, %parallel_loop3A_49] {strides = array<i32>} : memref<16x640xf32, #tpu.memory_space<vmem>>, vector<16xf32>,
      %parallel_loop3A_51 = arith.constant 16 : i32
      %parallel_loop3A_52 = arith.muli %parallel_loop3A_44, %parallel_loop3A_51 : i32
      %parallel_loop3A_53 = arith.constant 1 : i32
      %parallel_loop3A_54 = arith.index_cast %parallel_loop3A_53 : i32 to index
      %parallel_loop3A_55 = arith.index_cast %parallel_loop3A_52 : i32 to index
      %parallel_loop3A_56 = tpu.vector_load %arg6[%parallel_loop3A_54, %parallel_loop3A_55] {strides = array<i32>} : memref<16x640xf32, #tpu.memory_space<vmem>>, vector<16xf32>,
      %parallel_loop3A_57 = arith.addf %parallel_loop3A_50, %parallel_loop3A_56 : vector<16xf32>
      %parallel_loop3A_58 = arith.constant 16 : i32
      %parallel_loop3A_59 = arith.muli %parallel_loop3A_44, %parallel_loop3A_58 : i32
      %parallel_loop3A_60 = arith.constant 2 : i32
      %parallel_loop3A_61 = arith.index_cast %parallel_loop3A_60 : i32 to index
      %parallel_loop3A_62 = arith.index_cast %parallel_loop3A_59 : i32 to index
      %parallel_loop3A_63 = tpu.vector_load %arg6[%parallel_loop3A_61, %parallel_loop3A_62] {strides = array<i32>} : memref<16x640xf32, #tpu.memory_space<vmem>>, vector<16xf32>,
      %parallel_loop3A_64 = arith.addf %parallel_loop3A_57, %parallel_loop3A_63 : vector<16xf32>
      %parallel_loop3A_65 = arith.constant 16 : i32
      %parallel_loop3A_66 = arith.muli %parallel_loop3A_44, %parallel_loop3A_65 : i32
      %parallel_loop3A_67 = arith.constant 3 : i32
      %parallel_loop3A_68 = arith.index_cast %parallel_loop3A_67 : i32 to index
      %parallel_loop3A_69 = arith.index_cast %parallel_loop3A_66 : i32 to index
      %parallel_loop3A_70 = tpu.vector_load %arg6[%parallel_loop3A_68, %parallel_loop3A_69] {strides = array<i32>} : memref<16x640xf32, #tpu.memory_space<vmem>>, vector<16xf32>,
      %parallel_loop3A_71 = arith.addf %parallel_loop3A_64, %parallel_loop3A_70 : vector<16xf32>
      %parallel_loop3A_72 = arith.constant 16 : i32
      %parallel_loop3A_73 = arith.muli %parallel_loop3A_44, %parallel_loop3A_72 : i32
      %parallel_loop3A_74 = arith.constant 4 : i32
      %parallel_loop3A_75 = arith.index_cast %parallel_loop3A_74 : i32 to index
      %parallel_loop3A_76 = arith.index_cast %parallel_loop3A_73 : i32 to index
      %parallel_loop3A_77 = tpu.vector_load %arg6[%parallel_loop3A_75, %parallel_loop3A_76] {strides = array<i32>} : memref<16x640xf32, #tpu.memory_space<vmem>>, vector<16xf32>,
      %parallel_loop3A_78 = arith.addf %parallel_loop3A_71, %parallel_loop3A_77 : vector<16xf32>
      %parallel_loop3A_79 = arith.constant 16 : i32
      %parallel_loop3A_80 = arith.muli %parallel_loop3A_44, %parallel_loop3A_79 : i32
      %parallel_loop3A_81 = arith.constant 5 : i32
      %parallel_loop3A_82 = arith.index_cast %parallel_loop3A_81 : i32 to index
      %parallel_loop3A_83 = arith.index_cast %parallel_loop3A_80 : i32 to index
      %parallel_loop3A_84 = tpu.vector_load %arg6[%parallel_loop3A_82, %parallel_loop3A_83] {strides = array<i32>} : memref<16x640xf32, #tpu.memory_space<vmem>>, vector<16xf32>,
      %parallel_loop3A_85 = arith.addf %parallel_loop3A_78, %parallel_loop3A_84 : vector<16xf32>
      %parallel_loop3A_86 = arith.constant 16 : i32
      %parallel_loop3A_87 = arith.muli %parallel_loop3A_44, %parallel_loop3A_86 : i32
      %parallel_loop3A_88 = arith.constant 6 : i32
      %parallel_loop3A_89 = arith.index_cast %parallel_loop3A_88 : i32 to index
      %parallel_loop3A_90 = arith.index_cast %parallel_loop3A_87 : i32 to index
      %parallel_loop3A_91 = tpu.vector_load %arg6[%parallel_loop3A_89, %parallel_loop3A_90] {strides = array<i32>} : memref<16x640xf32, #tpu.memory_space<vmem>>, vector<16xf32>,
      %parallel_loop3A_92 = arith.addf %parallel_loop3A_85, %parallel_loop3A_91 : vector<16xf32>
      %parallel_loop3A_93 = arith.constant 16 : i32
      %parallel_loop3A_94 = arith.muli %parallel_loop3A_44, %parallel_loop3A_93 : i32
      %parallel_loop3A_95 = arith.constant 7 : i32
      %parallel_loop3A_96 = arith.index_cast %parallel_loop3A_95 : i32 to index
      %parallel_loop3A_97 = arith.index_cast %parallel_loop3A_94 : i32 to index
      %parallel_loop3A_98 = tpu.vector_load %arg6[%parallel_loop3A_96, %parallel_loop3A_97] {strides = array<i32>} : memref<16x640xf32, #tpu.memory_space<vmem>>, vector<16xf32>,
      %parallel_loop3A_99 = arith.addf %parallel_loop3A_92, %parallel_loop3A_98 : vector<16xf32>
      %parallel_loop3A_100 = arith.constant 16 : i32
      %parallel_loop3A_101 = arith.muli %parallel_loop3A_44, %parallel_loop3A_100 : i32
      %parallel_loop3A_102 = arith.constant 8 : i32
      %parallel_loop3A_103 = arith.index_cast %parallel_loop3A_102 : i32 to index
      %parallel_loop3A_104 = arith.index_cast %parallel_loop3A_101 : i32 to index
      %parallel_loop3A_105 = tpu.vector_load %arg6[%parallel_loop3A_103, %parallel_loop3A_104] {strides = array<i32>} : memref<16x640xf32, #tpu.memory_space<vmem>>, vector<16xf32>,
      %parallel_loop3A_106 = arith.addf %parallel_loop3A_99, %parallel_loop3A_105 : vector<16xf32>
      %parallel_loop3A_107 = arith.constant 16 : i32
      %parallel_loop3A_108 = arith.muli %parallel_loop3A_44, %parallel_loop3A_107 : i32
      %parallel_loop3A_109 = arith.constant 9 : i32
      %parallel_loop3A_110 = arith.index_cast %parallel_loop3A_109 : i32 to index
      %parallel_loop3A_111 = arith.index_cast %parallel_loop3A_108 : i32 to index
      %parallel_loop3A_112 = tpu.vector_load %arg6[%parallel_loop3A_110, %parallel_loop3A_111] {strides = array<i32>} : memref<16x640xf32, #tpu.memory_space<vmem>>, vector<16xf32>,
      %parallel_loop3A_113 = arith.addf %parallel_loop3A_106, %parallel_loop3A_112 : vector<16xf32>
      %parallel_loop3A_114 = arith.constant 16 : i32
      %parallel_loop3A_115 = arith.muli %parallel_loop3A_44, %parallel_loop3A_114 : i32
      %parallel_loop3A_116 = arith.constant 10 : i32
      %parallel_loop3A_117 = arith.index_cast %parallel_loop3A_116 : i32 to index
      %parallel_loop3A_118 = arith.index_cast %parallel_loop3A_115 : i32 to index
      %parallel_loop3A_119 = tpu.vector_load %arg6[%parallel_loop3A_117, %parallel_loop3A_118] {strides = array<i32>} : memref<16x640xf32, #tpu.memory_space<vmem>>, vector<16xf32>,
      %parallel_loop3A_120 = arith.addf %parallel_loop3A_113, %parallel_loop3A_119 : vector<16xf32>
      %parallel_loop3A_121 = arith.constant 16 : i32
      %parallel_loop3A_122 = arith.muli %parallel_loop3A_44, %parallel_loop3A_121 : i32
      %parallel_loop3A_123 = arith.constant 11 : i32
      %parallel_loop3A_124 = arith.index_cast %parallel_loop3A_123 : i32 to index
      %parallel_loop3A_125 = arith.index_cast %parallel_loop3A_122 : i32 to index
      %parallel_loop3A_126 = tpu.vector_load %arg6[%parallel_loop3A_124, %parallel_loop3A_125] {strides = array<i32>} : memref<16x640xf32, #tpu.memory_space<vmem>>, vector<16xf32>,
      %parallel_loop3A_127 = arith.addf %parallel_loop3A_120, %parallel_loop3A_126 : vector<16xf32>
      %parallel_loop3A_128 = arith.constant 16 : i32
      %parallel_loop3A_129 = arith.muli %parallel_loop3A_44, %parallel_loop3A_128 : i32
      %parallel_loop3A_130 = arith.constant 12 : i32
      %parallel_loop3A_131 = arith.index_cast %parallel_loop3A_130 : i32 to index
      %parallel_loop3A_132 = arith.index_cast %parallel_loop3A_129 : i32 to index
      %parallel_loop3A_133 = tpu.vector_load %arg6[%parallel_loop3A_131, %parallel_loop3A_132] {strides = array<i32>} : memref<16x640xf32, #tpu.memory_space<vmem>>, vector<16xf32>,
      %parallel_loop3A_134 = arith.addf %parallel_loop3A_127, %parallel_loop3A_133 : vector<16xf32>
      %parallel_loop3A_135 = arith.constant 16 : i32
      %parallel_loop3A_136 = arith.muli %parallel_loop3A_44, %parallel_loop3A_135 : i32
      %parallel_loop3A_137 = arith.constant 13 : i32
      %parallel_loop3A_138 = arith.index_cast %parallel_loop3A_137 : i32 to index
      %parallel_loop3A_139 = arith.index_cast %parallel_loop3A_136 : i32 to index
      %parallel_loop3A_140 = tpu.vector_load %arg6[%parallel_loop3A_138, %parallel_loop3A_139] {strides = array<i32>} : memref<16x640xf32, #tpu.memory_space<vmem>>, vector<16xf32>,
      %parallel_loop3A_141 = arith.addf %parallel_loop3A_134, %parallel_loop3A_140 : vector<16xf32>
      %parallel_loop3A_142 = arith.constant 16 : i32
      %parallel_loop3A_143 = arith.muli %parallel_loop3A_44, %parallel_loop3A_142 : i32
      %parallel_loop3A_144 = arith.constant 14 : i32
      %parallel_loop3A_145 = arith.index_cast %parallel_loop3A_144 : i32 to index
      %parallel_loop3A_146 = arith.index_cast %parallel_loop3A_143 : i32 to index
      %parallel_loop3A_147 = tpu.vector_load %arg6[%parallel_loop3A_145, %parallel_loop3A_146] {strides = array<i32>} : memref<16x640xf32, #tpu.memory_space<vmem>>, vector<16xf32>,
      %parallel_loop3A_148 = arith.addf %parallel_loop3A_141, %parallel_loop3A_147 : vector<16xf32>
      %parallel_loop3A_149 = arith.constant 16 : i32
      %parallel_loop3A_150 = arith.muli %parallel_loop3A_44, %parallel_loop3A_149 : i32
      %parallel_loop3A_151 = arith.constant 15 : i32
      %parallel_loop3A_152 = arith.index_cast %parallel_loop3A_151 : i32 to index
      %parallel_loop3A_153 = arith.index_cast %parallel_loop3A_150 : i32 to index
      %parallel_loop3A_154 = tpu.vector_load %arg6[%parallel_loop3A_152, %parallel_loop3A_153] {strides = array<i32>} : memref<16x640xf32, #tpu.memory_space<vmem>>, vector<16xf32>,
      %parallel_loop3A_155 = arith.addf %parallel_loop3A_148, %parallel_loop3A_154 : vector<16xf32>
      %parallel_loop3A_156 = arith.constant 16 : i32
      %parallel_loop3A_157 = arith.muli %parallel_loop3A_44, %parallel_loop3A_156 : i32
      %parallel_loop3A_158 = arith.index_cast %parallel_loop3A_157 : i32 to index
      %parallel_loop3A_159 = tpu.vector_load %arg7[%parallel_loop3A_158] {strides = array<i32>} : memref<640xf32, #tpu.memory_space<vmem>>, vector<16xf32>,
      tpu.vector_store %arg7[%parallel_loop3A_158], %parallel_loop3A_155 {strides = array<i32>} : memref<640xf32, #tpu.memory_space<vmem>>, vector<16xf32>,
    } {sc.loop_unroll_factor = 4 : i64, sc.parallel_access}
    %mul3A_42 = arith.constant 640 : i32
    %mul3A_43 = arith.muli %arg1, %mul3A_42 : i32
    "tpu.region"() ({
      %run_scoped3A = tpu.sem_alloc : memref<!tpu.dma_semaphore, #tpu.memory_space<semaphore_mem>>
      %dma_start3A_44 = tpu.memref_slice %arg3[%arg0, %mul3A_43] : memref<2x10240xf32, #tpu.memory_space<hbm>> -> memref<1x640xf32, #tpu.memory_space<hbm>>
      %dma_start3A_45 = tpu.memref_squeeze %dma_start3A_44 : memref<1x640xf32, #tpu.memory_space<hbm>> -> memref<640xf32, #tpu.memory_space<hbm>>
      %dma_start3A_46 = tpu.memref_slice %arg3[%arg0, %mul3A_43] : memref<2x10240xf32, #tpu.memory_space<hbm>> -> memref<1x640xf32, #tpu.memory_space<hbm>>
      %dma_start3A_47 = tpu.memref_squeeze %dma_start3A_46 : memref<1x640xf32, #tpu.memory_space<hbm>> -> memref<640xf32, #tpu.memory_space<hbm>>
      tpu.enqueue_dma source(%arg7 : memref<640xf32, #tpu.memory_space<vmem>>) target(%dma_start3A_47 : memref<640xf32, #tpu.memory_space<hbm>>) target_semaphore(%run_scoped3A : memref<!tpu.dma_semaphore, #tpu.memory_space<semaphore_mem>>)
      %dma_wait3A_48 = tpu.memref_slice %arg3[%arg0, %mul3A_43] : memref<2x10240xf32, #tpu.memory_space<hbm>> -> memref<1x640xf32, #tpu.memory_space<hbm>>
      %dma_wait3A_49 = tpu.memref_squeeze %dma_wait3A_48 : memref<1x640xf32, #tpu.memory_space<hbm>> -> memref<640xf32, #tpu.memory_space<hbm>>
      %dma_wait3A_50 = tpu.memref_slice %arg3[%arg0, %mul3A_43] : memref<2x10240xf32, #tpu.memory_space<hbm>> -> memref<1x640xf32, #tpu.memory_space<hbm>>
      %dma_wait3A_51 = tpu.memref_squeeze %dma_wait3A_50 : memref<1x640xf32, #tpu.memory_space<hbm>> -> memref<640xf32, #tpu.memory_space<hbm>>
      tpu.wait_dma2 semaphore(%run_scoped3A : memref<!tpu.dma_semaphore, #tpu.memory_space<semaphore_mem>>) src(%arg7 : memref<640xf32, #tpu.memory_space<vmem>>) dst(%dma_wait3A_51 : memref<640xf32, #tpu.memory_space<hbm>>)
      tpu.yield
    }) : () -> ()
    return
  }
}

module attributes {stable_mosaic.version = 14 : i64} {
  func.func @_tc_linear_body(%arg0: memref<2x10240xf32, #tpu.memory_space<vmem>>, %arg1: memref<128x128xf32, #tpu.memory_space<vmem>>, %arg2: memref<1x128xf32, #tpu.memory_space<vmem>>, %arg3: memref<10000x128xf32, #tpu.memory_space<any>>, %arg4: memref<10x1024x128xf32, #tpu.memory_space<vmem>>, %arg5: memref<!tpu.dma_semaphore, #tpu.memory_space<semaphore_mem>>) attributes {dimension_semantics = [], scalar_prefetch = 0 : i64, scratch_operands = 2 : i64, tpu.core_type = #tpu.core_type<tc>} {
    %get3A = arith.constant 0 : index
    %get3A_0 = arith.constant 0 : index
    %get3A_1 = vector.load %arg1[%get3A, %get3A_0] : memref<128x128xf32, #tpu.memory_space<vmem>>, vector<128x128xf32>
    %reduce_sum3A = arith.constant dense<0.000000e+00> : vector<128xf32>
    %reduce_sum3A_2 = vector.multi_reduction <add>, %get3A_1, %reduce_sum3A [1] : vector<128x128xf32> to vector<128xf32>
    %broadcast_in_dim3A = vector.shape_cast %reduce_sum3A_2 : vector<128xf32> to vector<1x128xf32>
    %broadcast_in_dim3A_3 = vector.shape_cast %broadcast_in_dim3A : vector<1x128xf32> to vector<1x128xf32>
    %broadcast_in_dim3A_4 = vector.broadcast %broadcast_in_dim3A_3 : vector<1x128xf32> to vector<2x128xf32>
    %get3A_5 = arith.constant 0 : index
    %get3A_6 = arith.constant 0 : index
    %get3A_7 = vector.load %arg2[%get3A_5, %get3A_6] : memref<1x128xf32, #tpu.memory_space<vmem>>, vector<1x128xf32>
    %get3A_8 = arith.constant 0 : index
    %get3A_9 = arith.constant 0 : index
    %get3A_10 = vector.load %arg0[%get3A_8, %get3A_9] : memref<2x10240xf32, #tpu.memory_space<vmem>>, vector<2x1024xf32>
    %dot_general3A = arith.constant dense<0.000000e+00> : vector<1024x128xf32>
    %dot_general3A_11 = tpu.matmul %get3A_10, %broadcast_in_dim3A_4, %dot_general3A {dimension_numbers = #tpu.dot_dimension_numbers<[0], [0], [1], [1], [0, 1, 1, 1], [], []>, transpose_lhs_hint = false} : vector<2x1024xf32>, vector<2x128xf32>, vector<1024x128xf32> -> vector<1024x128xf32>
    %add3A = vector.broadcast %get3A_7 : vector<1x128xf32> to vector<1024x128xf32>
    %add3A_12 = arith.addf %dot_general3A_11, %add3A : vector<1024x128xf32>
    %swap3A = arith.constant 0 : index
    %swap3A_13 = arith.constant 0 : index
    %swap3A_14 = arith.constant 0 : index
    %swap3A_15 = vector.load %arg4[%swap3A, %swap3A_13, %swap3A_14] : memref<10x1024x128xf32, #tpu.memory_space<vmem>>, vector<1x1024x128xf32>
    %swap3A_16 = vector.shape_cast %swap3A_15 : vector<1x1024x128xf32> to vector<1024x128xf32>
    %swap3A_17 = vector.shape_cast %add3A_12 : vector<1024x128xf32> to vector<1x1024x128xf32>
    tpu.vector_store %arg4[%swap3A, %swap3A_13, %swap3A_14], %swap3A_17 {strides = array<i32>} : memref<10x1024x128xf32, #tpu.memory_space<vmem>>, vector<1x1024x128xf32>,
    %dma_start3A = arith.constant 0 : i32
    %dma_start3A_18 = arith.constant 0 : i32
    %dma_start3A_19 = arith.constant 0 : i32
    %dma_start3A_20 = tpu.memref_slice %arg3[%dma_start3A_18, %dma_start3A_19] : memref<10000x128xf32, #tpu.memory_space<any>> -> memref<1024x128xf32, #tpu.memory_space<any>>
    %dma_start3A_21 = arith.constant 0 : i32
    %dma_start3A_22 = arith.constant 0 : i32
    %dma_start3A_23 = tpu.memref_slice %arg4[%dma_start3A, %dma_start3A_21, %dma_start3A_22] : memref<10x1024x128xf32, #tpu.memory_space<vmem>> -> memref<1x1024x128xf32, #tpu.memory_space<vmem>>
    %dma_start3A_24 = tpu.memref_squeeze %dma_start3A_23 : memref<1x1024x128xf32, #tpu.memory_space<vmem>> -> memref<1024x128xf32, #tpu.memory_space<vmem>>
    tpu.enqueue_dma source(%dma_start3A_24 : memref<1024x128xf32, #tpu.memory_space<vmem>>) target(%dma_start3A_20 : memref<1024x128xf32, #tpu.memory_space<any>>) target_semaphore(%arg5 : memref<!tpu.dma_semaphore, #tpu.memory_space<semaphore_mem>>)
    %get3A_25 = arith.constant 0 : index
    %get3A_26 = arith.constant 1024 : index
    %get3A_27 = vector.load %arg0[%get3A_25, %get3A_26] : memref<2x10240xf32, #tpu.memory_space<vmem>>, vector<2x1024xf32>
    %dot_general3A_28 = arith.constant dense<0.000000e+00> : vector<1024x128xf32>
    %dot_general3A_29 = tpu.matmul %get3A_27, %broadcast_in_dim3A_4, %dot_general3A_28 {dimension_numbers = #tpu.dot_dimension_numbers<[0], [0], [1], [1], [0, 1, 1, 1], [], []>, transpose_lhs_hint = false} : vector<2x1024xf32>, vector<2x128xf32>, vector<1024x128xf32> -> vector<1024x128xf32>
    %add3A_30 = vector.broadcast %get3A_7 : vector<1x128xf32> to vector<1024x128xf32>
    %add3A_31 = arith.addf %dot_general3A_29, %add3A_30 : vector<1024x128xf32>
    %swap3A_32 = arith.constant 1 : index
    %swap3A_33 = arith.constant 0 : index
    %swap3A_34 = arith.constant 0 : index
    %swap3A_35 = vector.load %arg4[%swap3A_32, %swap3A_33, %swap3A_34] : memref<10x1024x128xf32, #tpu.memory_space<vmem>>, vector<1x1024x128xf32>
    %swap3A_36 = vector.shape_cast %swap3A_35 : vector<1x1024x128xf32> to vector<1024x128xf32>
    %swap3A_37 = vector.shape_cast %add3A_31 : vector<1024x128xf32> to vector<1x1024x128xf32>
    tpu.vector_store %arg4[%swap3A_32, %swap3A_33, %swap3A_34], %swap3A_37 {strides = array<i32>} : memref<10x1024x128xf32, #tpu.memory_space<vmem>>, vector<1x1024x128xf32>,
    %dma_start3A_38 = arith.constant 1 : i32
    %dma_start3A_39 = arith.constant 1024 : i32
    %dma_start3A_40 = arith.constant 0 : i32
    %dma_start3A_41 = tpu.memref_slice %arg3[%dma_start3A_39, %dma_start3A_40] : memref<10000x128xf32, #tpu.memory_space<any>> -> memref<1024x128xf32, #tpu.memory_space<any>>
    %dma_start3A_42 = arith.constant 0 : i32
    %dma_start3A_43 = arith.constant 0 : i32
    %dma_start3A_44 = tpu.memref_slice %arg4[%dma_start3A_38, %dma_start3A_42, %dma_start3A_43] : memref<10x1024x128xf32, #tpu.memory_space<vmem>> -> memref<1x1024x128xf32, #tpu.memory_space<vmem>>
    %dma_start3A_45 = tpu.memref_squeeze %dma_start3A_44 : memref<1x1024x128xf32, #tpu.memory_space<vmem>> -> memref<1024x128xf32, #tpu.memory_space<vmem>>
    tpu.enqueue_dma source(%dma_start3A_45 : memref<1024x128xf32, #tpu.memory_space<vmem>>) target(%dma_start3A_41 : memref<1024x128xf32, #tpu.memory_space<any>>) target_semaphore(%arg5 : memref<!tpu.dma_semaphore, #tpu.memory_space<semaphore_mem>>)
    %get3A_46 = arith.constant 0 : index
    %get3A_47 = arith.constant 2048 : index
    %get3A_48 = vector.load %arg0[%get3A_46, %get3A_47] : memref<2x10240xf32, #tpu.memory_space<vmem>>, vector<2x1024xf32>
    %dot_general3A_49 = arith.constant dense<0.000000e+00> : vector<1024x128xf32>
    %dot_general3A_50 = tpu.matmul %get3A_48, %broadcast_in_dim3A_4, %dot_general3A_49 {dimension_numbers = #tpu.dot_dimension_numbers<[0], [0], [1], [1], [0, 1, 1, 1], [], []>, transpose_lhs_hint = false} : vector<2x1024xf32>, vector<2x128xf32>, vector<1024x128xf32> -> vector<1024x128xf32>
    %add3A_51 = vector.broadcast %get3A_7 : vector<1x128xf32> to vector<1024x128xf32>
    %add3A_52 = arith.addf %dot_general3A_50, %add3A_51 : vector<1024x128xf32>
    %swap3A_53 = arith.constant 2 : index
    %swap3A_54 = arith.constant 0 : index
    %swap3A_55 = arith.constant 0 : index
    %swap3A_56 = vector.load %arg4[%swap3A_53, %swap3A_54, %swap3A_55] : memref<10x1024x128xf32, #tpu.memory_space<vmem>>, vector<1x1024x128xf32>
    %swap3A_57 = vector.shape_cast %swap3A_56 : vector<1x1024x128xf32> to vector<1024x128xf32>
    %swap3A_58 = vector.shape_cast %add3A_52 : vector<1024x128xf32> to vector<1x1024x128xf32>
    tpu.vector_store %arg4[%swap3A_53, %swap3A_54, %swap3A_55], %swap3A_58 {strides = array<i32>} : memref<10x1024x128xf32, #tpu.memory_space<vmem>>, vector<1x1024x128xf32>,
    %dma_start3A_59 = arith.constant 2 : i32
    %dma_start3A_60 = arith.constant 2048 : i32
    %dma_start3A_61 = arith.constant 0 : i32
    %dma_start3A_62 = tpu.memref_slice %arg3[%dma_start3A_60, %dma_start3A_61] : memref<10000x128xf32, #tpu.memory_space<any>> -> memref<1024x128xf32, #tpu.memory_space<any>>
    %dma_start3A_63 = arith.constant 0 : i32
    %dma_start3A_64 = arith.constant 0 : i32
    %dma_start3A_65 = tpu.memref_slice %arg4[%dma_start3A_59, %dma_start3A_63, %dma_start3A_64] : memref<10x1024x128xf32, #tpu.memory_space<vmem>> -> memref<1x1024x128xf32, #tpu.memory_space<vmem>>
    %dma_start3A_66 = tpu.memref_squeeze %dma_start3A_65 : memref<1x1024x128xf32, #tpu.memory_space<vmem>> -> memref<1024x128xf32, #tpu.memory_space<vmem>>
    tpu.enqueue_dma source(%dma_start3A_66 : memref<1024x128xf32, #tpu.memory_space<vmem>>) target(%dma_start3A_62 : memref<1024x128xf32, #tpu.memory_space<any>>) target_semaphore(%arg5 : memref<!tpu.dma_semaphore, #tpu.memory_space<semaphore_mem>>)
    %get3A_67 = arith.constant 0 : index
    %get3A_68 = arith.constant 3072 : index
    %get3A_69 = vector.load %arg0[%get3A_67, %get3A_68] : memref<2x10240xf32, #tpu.memory_space<vmem>>, vector<2x1024xf32>
    %dot_general3A_70 = arith.constant dense<0.000000e+00> : vector<1024x128xf32>
    %dot_general3A_71 = tpu.matmul %get3A_69, %broadcast_in_dim3A_4, %dot_general3A_70 {dimension_numbers = #tpu.dot_dimension_numbers<[0], [0], [1], [1], [0, 1, 1, 1], [], []>, transpose_lhs_hint = false} : vector<2x1024xf32>, vector<2x128xf32>, vector<1024x128xf32> -> vector<1024x128xf32>
    %add3A_72 = vector.broadcast %get3A_7 : vector<1x128xf32> to vector<1024x128xf32>
    %add3A_73 = arith.addf %dot_general3A_71, %add3A_72 : vector<1024x128xf32>
    %swap3A_74 = arith.constant 3 : index
    %swap3A_75 = arith.constant 0 : index
    %swap3A_76 = arith.constant 0 : index
    %swap3A_77 = vector.load %arg4[%swap3A_74, %swap3A_75, %swap3A_76] : memref<10x1024x128xf32, #tpu.memory_space<vmem>>, vector<1x1024x128xf32>
    %swap3A_78 = vector.shape_cast %swap3A_77 : vector<1x1024x128xf32> to vector<1024x128xf32>
    %swap3A_79 = vector.shape_cast %add3A_73 : vector<1024x128xf32> to vector<1x1024x128xf32>
    tpu.vector_store %arg4[%swap3A_74, %swap3A_75, %swap3A_76], %swap3A_79 {strides = array<i32>} : memref<10x1024x128xf32, #tpu.memory_space<vmem>>, vector<1x1024x128xf32>,
    %dma_start3A_80 = arith.constant 3 : i32
    %dma_start3A_81 = arith.constant 3072 : i32
    %dma_start3A_82 = arith.constant 0 : i32
    %dma_start3A_83 = tpu.memref_slice %arg3[%dma_start3A_81, %dma_start3A_82] : memref<10000x128xf32, #tpu.memory_space<any>> -> memref<1024x128xf32, #tpu.memory_space<any>>
    %dma_start3A_84 = arith.constant 0 : i32
    %dma_start3A_85 = arith.constant 0 : i32
    %dma_start3A_86 = tpu.memref_slice %arg4[%dma_start3A_80, %dma_start3A_84, %dma_start3A_85] : memref<10x1024x128xf32, #tpu.memory_space<vmem>> -> memref<1x1024x128xf32, #tpu.memory_space<vmem>>
    %dma_start3A_87 = tpu.memref_squeeze %dma_start3A_86 : memref<1x1024x128xf32, #tpu.memory_space<vmem>> -> memref<1024x128xf32, #tpu.memory_space<vmem>>
    tpu.enqueue_dma source(%dma_start3A_87 : memref<1024x128xf32, #tpu.memory_space<vmem>>) target(%dma_start3A_83 : memref<1024x128xf32, #tpu.memory_space<any>>) target_semaphore(%arg5 : memref<!tpu.dma_semaphore, #tpu.memory_space<semaphore_mem>>)
    %get3A_88 = arith.constant 0 : index
    %get3A_89 = arith.constant 4096 : index
    %get3A_90 = vector.load %arg0[%get3A_88, %get3A_89] : memref<2x10240xf32, #tpu.memory_space<vmem>>, vector<2x1024xf32>
    %dot_general3A_91 = arith.constant dense<0.000000e+00> : vector<1024x128xf32>
    %dot_general3A_92 = tpu.matmul %get3A_90, %broadcast_in_dim3A_4, %dot_general3A_91 {dimension_numbers = #tpu.dot_dimension_numbers<[0], [0], [1], [1], [0, 1, 1, 1], [], []>, transpose_lhs_hint = false} : vector<2x1024xf32>, vector<2x128xf32>, vector<1024x128xf32> -> vector<1024x128xf32>
    %add3A_93 = vector.broadcast %get3A_7 : vector<1x128xf32> to vector<1024x128xf32>
    %add3A_94 = arith.addf %dot_general3A_92, %add3A_93 : vector<1024x128xf32>
    %swap3A_95 = arith.constant 4 : index
    %swap3A_96 = arith.constant 0 : index
    %swap3A_97 = arith.constant 0 : index
    %swap3A_98 = vector.load %arg4[%swap3A_95, %swap3A_96, %swap3A_97] : memref<10x1024x128xf32, #tpu.memory_space<vmem>>, vector<1x1024x128xf32>
    %swap3A_99 = vector.shape_cast %swap3A_98 : vector<1x1024x128xf32> to vector<1024x128xf32>
    %swap3A_100 = vector.shape_cast %add3A_94 : vector<1024x128xf32> to vector<1x1024x128xf32>
    tpu.vector_store %arg4[%swap3A_95, %swap3A_96, %swap3A_97], %swap3A_100 {strides = array<i32>} : memref<10x1024x128xf32, #tpu.memory_space<vmem>>, vector<1x1024x128xf32>,
    %dma_start3A_101 = arith.constant 4 : i32
    %dma_start3A_102 = arith.constant 4096 : i32
    %dma_start3A_103 = arith.constant 0 : i32
    %dma_start3A_104 = tpu.memref_slice %arg3[%dma_start3A_102, %dma_start3A_103] : memref<10000x128xf32, #tpu.memory_space<any>> -> memref<1024x128xf32, #tpu.memory_space<any>>
    %dma_start3A_105 = arith.constant 0 : i32
    %dma_start3A_106 = arith.constant 0 : i32
    %dma_start3A_107 = tpu.memref_slice %arg4[%dma_start3A_101, %dma_start3A_105, %dma_start3A_106] : memref<10x1024x128xf32, #tpu.memory_space<vmem>> -> memref<1x1024x128xf32, #tpu.memory_space<vmem>>
    %dma_start3A_108 = tpu.memref_squeeze %dma_start3A_107 : memref<1x1024x128xf32, #tpu.memory_space<vmem>> -> memref<1024x128xf32, #tpu.memory_space<vmem>>
    tpu.enqueue_dma source(%dma_start3A_108 : memref<1024x128xf32, #tpu.memory_space<vmem>>) target(%dma_start3A_104 : memref<1024x128xf32, #tpu.memory_space<any>>) target_semaphore(%arg5 : memref<!tpu.dma_semaphore, #tpu.memory_space<semaphore_mem>>)
    %get3A_109 = arith.constant 0 : index
    %get3A_110 = arith.constant 5120 : index
    %get3A_111 = vector.load %arg0[%get3A_109, %get3A_110] : memref<2x10240xf32, #tpu.memory_space<vmem>>, vector<2x1024xf32>
    %dot_general3A_112 = arith.constant dense<0.000000e+00> : vector<1024x128xf32>
    %dot_general3A_113 = tpu.matmul %get3A_111, %broadcast_in_dim3A_4, %dot_general3A_112 {dimension_numbers = #tpu.dot_dimension_numbers<[0], [0], [1], [1], [0, 1, 1, 1], [], []>, transpose_lhs_hint = false} : vector<2x1024xf32>, vector<2x128xf32>, vector<1024x128xf32> -> vector<1024x128xf32>
    %add3A_114 = vector.broadcast %get3A_7 : vector<1x128xf32> to vector<1024x128xf32>
    %add3A_115 = arith.addf %dot_general3A_113, %add3A_114 : vector<1024x128xf32>
    %swap3A_116 = arith.constant 5 : index
    %swap3A_117 = arith.constant 0 : index
    %swap3A_118 = arith.constant 0 : index
    %swap3A_119 = vector.load %arg4[%swap3A_116, %swap3A_117, %swap3A_118] : memref<10x1024x128xf32, #tpu.memory_space<vmem>>, vector<1x1024x128xf32>
    %swap3A_120 = vector.shape_cast %swap3A_119 : vector<1x1024x128xf32> to vector<1024x128xf32>
    %swap3A_121 = vector.shape_cast %add3A_115 : vector<1024x128xf32> to vector<1x1024x128xf32>
    tpu.vector_store %arg4[%swap3A_116, %swap3A_117, %swap3A_118], %swap3A_121 {strides = array<i32>} : memref<10x1024x128xf32, #tpu.memory_space<vmem>>, vector<1x1024x128xf32>,
    %dma_start3A_122 = arith.constant 5 : i32
    %dma_start3A_123 = arith.constant 5120 : i32
    %dma_start3A_124 = arith.constant 0 : i32
    %dma_start3A_125 = tpu.memref_slice %arg3[%dma_start3A_123, %dma_start3A_124] : memref<10000x128xf32, #tpu.memory_space<any>> -> memref<1024x128xf32, #tpu.memory_space<any>>
    %dma_start3A_126 = arith.constant 0 : i32
    %dma_start3A_127 = arith.constant 0 : i32
    %dma_start3A_128 = tpu.memref_slice %arg4[%dma_start3A_122, %dma_start3A_126, %dma_start3A_127] : memref<10x1024x128xf32, #tpu.memory_space<vmem>> -> memref<1x1024x128xf32, #tpu.memory_space<vmem>>
    %dma_start3A_129 = tpu.memref_squeeze %dma_start3A_128 : memref<1x1024x128xf32, #tpu.memory_space<vmem>> -> memref<1024x128xf32, #tpu.memory_space<vmem>>
    tpu.enqueue_dma source(%dma_start3A_129 : memref<1024x128xf32, #tpu.memory_space<vmem>>) target(%dma_start3A_125 : memref<1024x128xf32, #tpu.memory_space<any>>) target_semaphore(%arg5 : memref<!tpu.dma_semaphore, #tpu.memory_space<semaphore_mem>>)
    %get3A_130 = arith.constant 0 : index
    %get3A_131 = arith.constant 6144 : index
    %get3A_132 = vector.load %arg0[%get3A_130, %get3A_131] : memref<2x10240xf32, #tpu.memory_space<vmem>>, vector<2x1024xf32>
    %dot_general3A_133 = arith.constant dense<0.000000e+00> : vector<1024x128xf32>
    %dot_general3A_134 = tpu.matmul %get3A_132, %broadcast_in_dim3A_4, %dot_general3A_133 {dimension_numbers = #tpu.dot_dimension_numbers<[0], [0], [1], [1], [0, 1, 1, 1], [], []>, transpose_lhs_hint = false} : vector<2x1024xf32>, vector<2x128xf32>, vector<1024x128xf32> -> vector<1024x128xf32>
    %add3A_135 = vector.broadcast %get3A_7 : vector<1x128xf32> to vector<1024x128xf32>
    %add3A_136 = arith.addf %dot_general3A_134, %add3A_135 : vector<1024x128xf32>
    %swap3A_137 = arith.constant 6 : index
    %swap3A_138 = arith.constant 0 : index
    %swap3A_139 = arith.constant 0 : index
    %swap3A_140 = vector.load %arg4[%swap3A_137, %swap3A_138, %swap3A_139] : memref<10x1024x128xf32, #tpu.memory_space<vmem>>, vector<1x1024x128xf32>
    %swap3A_141 = vector.shape_cast %swap3A_140 : vector<1x1024x128xf32> to vector<1024x128xf32>
    %swap3A_142 = vector.shape_cast %add3A_136 : vector<1024x128xf32> to vector<1x1024x128xf32>
    tpu.vector_store %arg4[%swap3A_137, %swap3A_138, %swap3A_139], %swap3A_142 {strides = array<i32>} : memref<10x1024x128xf32, #tpu.memory_space<vmem>>, vector<1x1024x128xf32>,
    %dma_start3A_143 = arith.constant 6 : i32
    %dma_start3A_144 = arith.constant 6144 : i32
    %dma_start3A_145 = arith.constant 0 : i32
    %dma_start3A_146 = tpu.memref_slice %arg3[%dma_start3A_144, %dma_start3A_145] : memref<10000x128xf32, #tpu.memory_space<any>> -> memref<1024x128xf32, #tpu.memory_space<any>>
    %dma_start3A_147 = arith.constant 0 : i32
    %dma_start3A_148 = arith.constant 0 : i32
    %dma_start3A_149 = tpu.memref_slice %arg4[%dma_start3A_143, %dma_start3A_147, %dma_start3A_148] : memref<10x1024x128xf32, #tpu.memory_space<vmem>> -> memref<1x1024x128xf32, #tpu.memory_space<vmem>>
    %dma_start3A_150 = tpu.memref_squeeze %dma_start3A_149 : memref<1x1024x128xf32, #tpu.memory_space<vmem>> -> memref<1024x128xf32, #tpu.memory_space<vmem>>
    tpu.enqueue_dma source(%dma_start3A_150 : memref<1024x128xf32, #tpu.memory_space<vmem>>) target(%dma_start3A_146 : memref<1024x128xf32, #tpu.memory_space<any>>) target_semaphore(%arg5 : memref<!tpu.dma_semaphore, #tpu.memory_space<semaphore_mem>>)
    %get3A_151 = arith.constant 0 : index
    %get3A_152 = arith.constant 7168 : index
    %get3A_153 = vector.load %arg0[%get3A_151, %get3A_152] : memref<2x10240xf32, #tpu.memory_space<vmem>>, vector<2x1024xf32>
    %dot_general3A_154 = arith.constant dense<0.000000e+00> : vector<1024x128xf32>
    %dot_general3A_155 = tpu.matmul %get3A_153, %broadcast_in_dim3A_4, %dot_general3A_154 {dimension_numbers = #tpu.dot_dimension_numbers<[0], [0], [1], [1], [0, 1, 1, 1], [], []>, transpose_lhs_hint = false} : vector<2x1024xf32>, vector<2x128xf32>, vector<1024x128xf32> -> vector<1024x128xf32>
    %add3A_156 = vector.broadcast %get3A_7 : vector<1x128xf32> to vector<1024x128xf32>
    %add3A_157 = arith.addf %dot_general3A_155, %add3A_156 : vector<1024x128xf32>
    %swap3A_158 = arith.constant 7 : index
    %swap3A_159 = arith.constant 0 : index
    %swap3A_160 = arith.constant 0 : index
    %swap3A_161 = vector.load %arg4[%swap3A_158, %swap3A_159, %swap3A_160] : memref<10x1024x128xf32, #tpu.memory_space<vmem>>, vector<1x1024x128xf32>
    %swap3A_162 = vector.shape_cast %swap3A_161 : vector<1x1024x128xf32> to vector<1024x128xf32>
    %swap3A_163 = vector.shape_cast %add3A_157 : vector<1024x128xf32> to vector<1x1024x128xf32>
    tpu.vector_store %arg4[%swap3A_158, %swap3A_159, %swap3A_160], %swap3A_163 {strides = array<i32>} : memref<10x1024x128xf32, #tpu.memory_space<vmem>>, vector<1x1024x128xf32>,
    %dma_start3A_164 = arith.constant 7 : i32
    %dma_start3A_165 = arith.constant 7168 : i32
    %dma_start3A_166 = arith.constant 0 : i32
    %dma_start3A_167 = tpu.memref_slice %arg3[%dma_start3A_165, %dma_start3A_166] : memref<10000x128xf32, #tpu.memory_space<any>> -> memref<1024x128xf32, #tpu.memory_space<any>>
    %dma_start3A_168 = arith.constant 0 : i32
    %dma_start3A_169 = arith.constant 0 : i32
    %dma_start3A_170 = tpu.memref_slice %arg4[%dma_start3A_164, %dma_start3A_168, %dma_start3A_169] : memref<10x1024x128xf32, #tpu.memory_space<vmem>> -> memref<1x1024x128xf32, #tpu.memory_space<vmem>>
    %dma_start3A_171 = tpu.memref_squeeze %dma_start3A_170 : memref<1x1024x128xf32, #tpu.memory_space<vmem>> -> memref<1024x128xf32, #tpu.memory_space<vmem>>
    tpu.enqueue_dma source(%dma_start3A_171 : memref<1024x128xf32, #tpu.memory_space<vmem>>) target(%dma_start3A_167 : memref<1024x128xf32, #tpu.memory_space<any>>) target_semaphore(%arg5 : memref<!tpu.dma_semaphore, #tpu.memory_space<semaphore_mem>>)
    %get3A_172 = arith.constant 0 : index
    %get3A_173 = arith.constant 8192 : index
    %get3A_174 = vector.load %arg0[%get3A_172, %get3A_173] : memref<2x10240xf32, #tpu.memory_space<vmem>>, vector<2x1024xf32>
    %dot_general3A_175 = arith.constant dense<0.000000e+00> : vector<1024x128xf32>
    %dot_general3A_176 = tpu.matmul %get3A_174, %broadcast_in_dim3A_4, %dot_general3A_175 {dimension_numbers = #tpu.dot_dimension_numbers<[0], [0], [1], [1], [0, 1, 1, 1], [], []>, transpose_lhs_hint = false} : vector<2x1024xf32>, vector<2x128xf32>, vector<1024x128xf32> -> vector<1024x128xf32>
    %add3A_177 = vector.broadcast %get3A_7 : vector<1x128xf32> to vector<1024x128xf32>
    %add3A_178 = arith.addf %dot_general3A_176, %add3A_177 : vector<1024x128xf32>
    %swap3A_179 = arith.constant 8 : index
    %swap3A_180 = arith.constant 0 : index
    %swap3A_181 = arith.constant 0 : index
    %swap3A_182 = vector.load %arg4[%swap3A_179, %swap3A_180, %swap3A_181] : memref<10x1024x128xf32, #tpu.memory_space<vmem>>, vector<1x1024x128xf32>
    %swap3A_183 = vector.shape_cast %swap3A_182 : vector<1x1024x128xf32> to vector<1024x128xf32>
    %swap3A_184 = vector.shape_cast %add3A_178 : vector<1024x128xf32> to vector<1x1024x128xf32>
    tpu.vector_store %arg4[%swap3A_179, %swap3A_180, %swap3A_181], %swap3A_184 {strides = array<i32>} : memref<10x1024x128xf32, #tpu.memory_space<vmem>>, vector<1x1024x128xf32>,
    %dma_start3A_185 = arith.constant 8 : i32
    %dma_start3A_186 = arith.constant 8192 : i32
    %dma_start3A_187 = arith.constant 0 : i32
    %dma_start3A_188 = tpu.memref_slice %arg3[%dma_start3A_186, %dma_start3A_187] : memref<10000x128xf32, #tpu.memory_space<any>> -> memref<1024x128xf32, #tpu.memory_space<any>>
    %dma_start3A_189 = arith.constant 0 : i32
    %dma_start3A_190 = arith.constant 0 : i32
    %dma_start3A_191 = tpu.memref_slice %arg4[%dma_start3A_185, %dma_start3A_189, %dma_start3A_190] : memref<10x1024x128xf32, #tpu.memory_space<vmem>> -> memref<1x1024x128xf32, #tpu.memory_space<vmem>>
    %dma_start3A_192 = tpu.memref_squeeze %dma_start3A_191 : memref<1x1024x128xf32, #tpu.memory_space<vmem>> -> memref<1024x128xf32, #tpu.memory_space<vmem>>
    tpu.enqueue_dma source(%dma_start3A_192 : memref<1024x128xf32, #tpu.memory_space<vmem>>) target(%dma_start3A_188 : memref<1024x128xf32, #tpu.memory_space<any>>) target_semaphore(%arg5 : memref<!tpu.dma_semaphore, #tpu.memory_space<semaphore_mem>>)
    %get3A_193 = arith.constant 0 : index
    %get3A_194 = arith.constant 9216 : index
    %get3A_195 = vector.load %arg0[%get3A_193, %get3A_194] : memref<2x10240xf32, #tpu.memory_space<vmem>>, vector<2x1024xf32>
    %dot_general3A_196 = arith.constant dense<0.000000e+00> : vector<1024x128xf32>
    %dot_general3A_197 = tpu.matmul %get3A_195, %broadcast_in_dim3A_4, %dot_general3A_196 {dimension_numbers = #tpu.dot_dimension_numbers<[0], [0], [1], [1], [0, 1, 1, 1], [], []>, transpose_lhs_hint = false} : vector<2x1024xf32>, vector<2x128xf32>, vector<1024x128xf32> -> vector<1024x128xf32>
    %add3A_198 = vector.broadcast %get3A_7 : vector<1x128xf32> to vector<1024x128xf32>
    %add3A_199 = arith.addf %dot_general3A_197, %add3A_198 : vector<1024x128xf32>
    %swap3A_200 = arith.constant 9 : index
    %swap3A_201 = arith.constant 0 : index
    %swap3A_202 = arith.constant 0 : index
    %swap3A_203 = vector.load %arg4[%swap3A_200, %swap3A_201, %swap3A_202] : memref<10x1024x128xf32, #tpu.memory_space<vmem>>, vector<1x1024x128xf32>
    %swap3A_204 = vector.shape_cast %swap3A_203 : vector<1x1024x128xf32> to vector<1024x128xf32>
    %swap3A_205 = vector.shape_cast %add3A_199 : vector<1024x128xf32> to vector<1x1024x128xf32>
    tpu.vector_store %arg4[%swap3A_200, %swap3A_201, %swap3A_202], %swap3A_205 {strides = array<i32>} : memref<10x1024x128xf32, #tpu.memory_space<vmem>>, vector<1x1024x128xf32>,
    %dma_start3A_206 = arith.constant 9 : i32
    %dma_start3A_207 = arith.constant 9216 : i32
    %dma_start3A_208 = arith.constant 0 : i32
    %dma_start3A_209 = tpu.memref_slice %arg3[%dma_start3A_207, %dma_start3A_208] : memref<10000x128xf32, #tpu.memory_space<any>> -> memref<784x128xf32, #tpu.memory_space<any>>
    %dma_start3A_210 = arith.constant 0 : i32
    %dma_start3A_211 = arith.constant 0 : i32
    %dma_start3A_212 = tpu.memref_slice %arg4[%dma_start3A_206, %dma_start3A_210, %dma_start3A_211] : memref<10x1024x128xf32, #tpu.memory_space<vmem>> -> memref<1x784x128xf32, #tpu.memory_space<vmem>>
    %dma_start3A_213 = tpu.memref_squeeze %dma_start3A_212 : memref<1x784x128xf32, #tpu.memory_space<vmem>> -> memref<784x128xf32, #tpu.memory_space<vmem>>
    tpu.enqueue_dma source(%dma_start3A_213 : memref<784x128xf32, #tpu.memory_space<vmem>>) target(%dma_start3A_209 : memref<784x128xf32, #tpu.memory_space<any>>) target_semaphore(%arg5 : memref<!tpu.dma_semaphore, #tpu.memory_space<semaphore_mem>>)
    %dma_wait3A = arith.constant 0 : i32
    %dma_wait3A_214 = arith.constant 0 : i32
    %dma_wait3A_215 = arith.constant 0 : i32
    %dma_wait3A_216 = tpu.memref_slice %arg3[%dma_wait3A_214, %dma_wait3A_215] : memref<10000x128xf32, #tpu.memory_space<any>> -> memref<1024x128xf32, #tpu.memory_space<any>>
    %dma_wait3A_217 = arith.constant 0 : i32
    %dma_wait3A_218 = arith.constant 0 : i32
    %dma_wait3A_219 = tpu.memref_slice %arg4[%dma_wait3A, %dma_wait3A_217, %dma_wait3A_218] : memref<10x1024x128xf32, #tpu.memory_space<vmem>> -> memref<1x1024x128xf32, #tpu.memory_space<vmem>>
    %dma_wait3A_220 = tpu.memref_squeeze %dma_wait3A_219 : memref<1x1024x128xf32, #tpu.memory_space<vmem>> -> memref<1024x128xf32, #tpu.memory_space<vmem>>
    tpu.wait_dma2 semaphore(%arg5 : memref<!tpu.dma_semaphore, #tpu.memory_space<semaphore_mem>>) src(%dma_wait3A_220 : memref<1024x128xf32, #tpu.memory_space<vmem>>) dst(%dma_wait3A_216 : memref<1024x128xf32, #tpu.memory_space<any>>)
    %dma_wait3A_221 = arith.constant 1 : i32
    %dma_wait3A_222 = arith.constant 1024 : i32
    %dma_wait3A_223 = arith.constant 0 : i32
    %dma_wait3A_224 = tpu.memref_slice %arg3[%dma_wait3A_222, %dma_wait3A_223] : memref<10000x128xf32, #tpu.memory_space<any>> -> memref<1024x128xf32, #tpu.memory_space<any>>
    %dma_wait3A_225 = arith.constant 0 : i32
    %dma_wait3A_226 = arith.constant 0 : i32
    %dma_wait3A_227 = tpu.memref_slice %arg4[%dma_wait3A_221, %dma_wait3A_225, %dma_wait3A_226] : memref<10x1024x128xf32, #tpu.memory_space<vmem>> -> memref<1x1024x128xf32, #tpu.memory_space<vmem>>
    %dma_wait3A_228 = tpu.memref_squeeze %dma_wait3A_227 : memref<1x1024x128xf32, #tpu.memory_space<vmem>> -> memref<1024x128xf32, #tpu.memory_space<vmem>>
    tpu.wait_dma2 semaphore(%arg5 : memref<!tpu.dma_semaphore, #tpu.memory_space<semaphore_mem>>) src(%dma_wait3A_228 : memref<1024x128xf32, #tpu.memory_space<vmem>>) dst(%dma_wait3A_224 : memref<1024x128xf32, #tpu.memory_space<any>>)
    %dma_wait3A_229 = arith.constant 2 : i32
    %dma_wait3A_230 = arith.constant 2048 : i32
    %dma_wait3A_231 = arith.constant 0 : i32
    %dma_wait3A_232 = tpu.memref_slice %arg3[%dma_wait3A_230, %dma_wait3A_231] : memref<10000x128xf32, #tpu.memory_space<any>> -> memref<1024x128xf32, #tpu.memory_space<any>>
    %dma_wait3A_233 = arith.constant 0 : i32
    %dma_wait3A_234 = arith.constant 0 : i32
    %dma_wait3A_235 = tpu.memref_slice %arg4[%dma_wait3A_229, %dma_wait3A_233, %dma_wait3A_234] : memref<10x1024x128xf32, #tpu.memory_space<vmem>> -> memref<1x1024x128xf32, #tpu.memory_space<vmem>>
    %dma_wait3A_236 = tpu.memref_squeeze %dma_wait3A_235 : memref<1x1024x128xf32, #tpu.memory_space<vmem>> -> memref<1024x128xf32, #tpu.memory_space<vmem>>
    tpu.wait_dma2 semaphore(%arg5 : memref<!tpu.dma_semaphore, #tpu.memory_space<semaphore_mem>>) src(%dma_wait3A_236 : memref<1024x128xf32, #tpu.memory_space<vmem>>) dst(%dma_wait3A_232 : memref<1024x128xf32, #tpu.memory_space<any>>)
    %dma_wait3A_237 = arith.constant 3 : i32
    %dma_wait3A_238 = arith.constant 3072 : i32
    %dma_wait3A_239 = arith.constant 0 : i32
    %dma_wait3A_240 = tpu.memref_slice %arg3[%dma_wait3A_238, %dma_wait3A_239] : memref<10000x128xf32, #tpu.memory_space<any>> -> memref<1024x128xf32, #tpu.memory_space<any>>
    %dma_wait3A_241 = arith.constant 0 : i32
    %dma_wait3A_242 = arith.constant 0 : i32
    %dma_wait3A_243 = tpu.memref_slice %arg4[%dma_wait3A_237, %dma_wait3A_241, %dma_wait3A_242] : memref<10x1024x128xf32, #tpu.memory_space<vmem>> -> memref<1x1024x128xf32, #tpu.memory_space<vmem>>
    %dma_wait3A_244 = tpu.memref_squeeze %dma_wait3A_243 : memref<1x1024x128xf32, #tpu.memory_space<vmem>> -> memref<1024x128xf32, #tpu.memory_space<vmem>>
    tpu.wait_dma2 semaphore(%arg5 : memref<!tpu.dma_semaphore, #tpu.memory_space<semaphore_mem>>) src(%dma_wait3A_244 : memref<1024x128xf32, #tpu.memory_space<vmem>>) dst(%dma_wait3A_240 : memref<1024x128xf32, #tpu.memory_space<any>>)
    %dma_wait3A_245 = arith.constant 4 : i32
    %dma_wait3A_246 = arith.constant 4096 : i32
    %dma_wait3A_247 = arith.constant 0 : i32
    %dma_wait3A_248 = tpu.memref_slice %arg3[%dma_wait3A_246, %dma_wait3A_247] : memref<10000x128xf32, #tpu.memory_space<any>> -> memref<1024x128xf32, #tpu.memory_space<any>>
    %dma_wait3A_249 = arith.constant 0 : i32
    %dma_wait3A_250 = arith.constant 0 : i32
    %dma_wait3A_251 = tpu.memref_slice %arg4[%dma_wait3A_245, %dma_wait3A_249, %dma_wait3A_250] : memref<10x1024x128xf32, #tpu.memory_space<vmem>> -> memref<1x1024x128xf32, #tpu.memory_space<vmem>>
    %dma_wait3A_252 = tpu.memref_squeeze %dma_wait3A_251 : memref<1x1024x128xf32, #tpu.memory_space<vmem>> -> memref<1024x128xf32, #tpu.memory_space<vmem>>
    tpu.wait_dma2 semaphore(%arg5 : memref<!tpu.dma_semaphore, #tpu.memory_space<semaphore_mem>>) src(%dma_wait3A_252 : memref<1024x128xf32, #tpu.memory_space<vmem>>) dst(%dma_wait3A_248 : memref<1024x128xf32, #tpu.memory_space<any>>)
    %dma_wait3A_253 = arith.constant 5 : i32
    %dma_wait3A_254 = arith.constant 5120 : i32
    %dma_wait3A_255 = arith.constant 0 : i32
    %dma_wait3A_256 = tpu.memref_slice %arg3[%dma_wait3A_254, %dma_wait3A_255] : memref<10000x128xf32, #tpu.memory_space<any>> -> memref<1024x128xf32, #tpu.memory_space<any>>
    %dma_wait3A_257 = arith.constant 0 : i32
    %dma_wait3A_258 = arith.constant 0 : i32
    %dma_wait3A_259 = tpu.memref_slice %arg4[%dma_wait3A_253, %dma_wait3A_257, %dma_wait3A_258] : memref<10x1024x128xf32, #tpu.memory_space<vmem>> -> memref<1x1024x128xf32, #tpu.memory_space<vmem>>
    %dma_wait3A_260 = tpu.memref_squeeze %dma_wait3A_259 : memref<1x1024x128xf32, #tpu.memory_space<vmem>> -> memref<1024x128xf32, #tpu.memory_space<vmem>>
    tpu.wait_dma2 semaphore(%arg5 : memref<!tpu.dma_semaphore, #tpu.memory_space<semaphore_mem>>) src(%dma_wait3A_260 : memref<1024x128xf32, #tpu.memory_space<vmem>>) dst(%dma_wait3A_256 : memref<1024x128xf32, #tpu.memory_space<any>>)
    %dma_wait3A_261 = arith.constant 6 : i32
    %dma_wait3A_262 = arith.constant 6144 : i32
    %dma_wait3A_263 = arith.constant 0 : i32
    %dma_wait3A_264 = tpu.memref_slice %arg3[%dma_wait3A_262, %dma_wait3A_263] : memref<10000x128xf32, #tpu.memory_space<any>> -> memref<1024x128xf32, #tpu.memory_space<any>>
    %dma_wait3A_265 = arith.constant 0 : i32
    %dma_wait3A_266 = arith.constant 0 : i32
    %dma_wait3A_267 = tpu.memref_slice %arg4[%dma_wait3A_261, %dma_wait3A_265, %dma_wait3A_266] : memref<10x1024x128xf32, #tpu.memory_space<vmem>> -> memref<1x1024x128xf32, #tpu.memory_space<vmem>>
    %dma_wait3A_268 = tpu.memref_squeeze %dma_wait3A_267 : memref<1x1024x128xf32, #tpu.memory_space<vmem>> -> memref<1024x128xf32, #tpu.memory_space<vmem>>
    tpu.wait_dma2 semaphore(%arg5 : memref<!tpu.dma_semaphore, #tpu.memory_space<semaphore_mem>>) src(%dma_wait3A_268 : memref<1024x128xf32, #tpu.memory_space<vmem>>) dst(%dma_wait3A_264 : memref<1024x128xf32, #tpu.memory_space<any>>)
    %dma_wait3A_269 = arith.constant 7 : i32
    %dma_wait3A_270 = arith.constant 7168 : i32
    %dma_wait3A_271 = arith.constant 0 : i32
    %dma_wait3A_272 = tpu.memref_slice %arg3[%dma_wait3A_270, %dma_wait3A_271] : memref<10000x128xf32, #tpu.memory_space<any>> -> memref<1024x128xf32, #tpu.memory_space<any>>
    %dma_wait3A_273 = arith.constant 0 : i32
    %dma_wait3A_274 = arith.constant 0 : i32
    %dma_wait3A_275 = tpu.memref_slice %arg4[%dma_wait3A_269, %dma_wait3A_273, %dma_wait3A_274] : memref<10x1024x128xf32, #tpu.memory_space<vmem>> -> memref<1x1024x128xf32, #tpu.memory_space<vmem>>
    %dma_wait3A_276 = tpu.memref_squeeze %dma_wait3A_275 : memref<1x1024x128xf32, #tpu.memory_space<vmem>> -> memref<1024x128xf32, #tpu.memory_space<vmem>>
    tpu.wait_dma2 semaphore(%arg5 : memref<!tpu.dma_semaphore, #tpu.memory_space<semaphore_mem>>) src(%dma_wait3A_276 : memref<1024x128xf32, #tpu.memory_space<vmem>>) dst(%dma_wait3A_272 : memref<1024x128xf32, #tpu.memory_space<any>>)
    %dma_wait3A_277 = arith.constant 8 : i32
    %dma_wait3A_278 = arith.constant 8192 : i32
    %dma_wait3A_279 = arith.constant 0 : i32
    %dma_wait3A_280 = tpu.memref_slice %arg3[%dma_wait3A_278, %dma_wait3A_279] : memref<10000x128xf32, #tpu.memory_space<any>> -> memref<1024x128xf32, #tpu.memory_space<any>>
    %dma_wait3A_281 = arith.constant 0 : i32
    %dma_wait3A_282 = arith.constant 0 : i32
    %dma_wait3A_283 = tpu.memref_slice %arg4[%dma_wait3A_277, %dma_wait3A_281, %dma_wait3A_282] : memref<10x1024x128xf32, #tpu.memory_space<vmem>> -> memref<1x1024x128xf32, #tpu.memory_space<vmem>>
    %dma_wait3A_284 = tpu.memref_squeeze %dma_wait3A_283 : memref<1x1024x128xf32, #tpu.memory_space<vmem>> -> memref<1024x128xf32, #tpu.memory_space<vmem>>
    tpu.wait_dma2 semaphore(%arg5 : memref<!tpu.dma_semaphore, #tpu.memory_space<semaphore_mem>>) src(%dma_wait3A_284 : memref<1024x128xf32, #tpu.memory_space<vmem>>) dst(%dma_wait3A_280 : memref<1024x128xf32, #tpu.memory_space<any>>)
    %dma_wait3A_285 = arith.constant 9 : i32
    %dma_wait3A_286 = arith.constant 9216 : i32
    %dma_wait3A_287 = arith.constant 0 : i32
    %dma_wait3A_288 = tpu.memref_slice %arg3[%dma_wait3A_286, %dma_wait3A_287] : memref<10000x128xf32, #tpu.memory_space<any>> -> memref<784x128xf32, #tpu.memory_space<any>>
    %dma_wait3A_289 = arith.constant 0 : i32
    %dma_wait3A_290 = arith.constant 0 : i32
    %dma_wait3A_291 = tpu.memref_slice %arg4[%dma_wait3A_285, %dma_wait3A_289, %dma_wait3A_290] : memref<10x1024x128xf32, #tpu.memory_space<vmem>> -> memref<1x784x128xf32, #tpu.memory_space<vmem>>
    %dma_wait3A_292 = tpu.memref_squeeze %dma_wait3A_291 : memref<1x784x128xf32, #tpu.memory_space<vmem>> -> memref<784x128xf32, #tpu.memory_space<vmem>>
    tpu.wait_dma2 semaphore(%arg5 : memref<!tpu.dma_semaphore, #tpu.memory_space<semaphore_mem>>) src(%dma_wait3A_292 : memref<784x128xf32, #tpu.memory_space<vmem>>) dst(%dma_wait3A_288 : memref<784x128xf32, #tpu.memory_space<any>>)
    return
  }
}

</mosaic_0001>

<sc_bundles>
// kernel: kernel.4.cloned.1.call-start
scs
__scs_entry_jumppad:
0x0: {  	(pc) =	sbr.rel $0x88, $3  }
0x1: {  	(tag) =	ssettag $0x0;
	lr =	simm.s32 $0x1  }
0x2: {  	[smem:$0x3F9E] =	sst lr;
	_ =	strace $0xD0000000  }
0x3: {  	_ = 	snop  }
0x4: {  	_ = 	snop  }
0x5: {  	_ = 	snop  }
0x6: {  	_ = 	snop  }
0x7: {  	_ = 	snop  }
__scs_overlays_trampoline_lowered:
0x8: {  	[smem:$0x3FAD] =	sst s0  }
0x9: {  	[smem:$0x3FAE] =	sst s1  }
0xa: {  	[smem:$0x3FAF] =	sst s2  }
0xb: {  	[smem:$0x3FB0] =	sst s3  }
0xc: {  	[smem:$0x3FB1] =	sst s4  }
0xd: {  	[smem:$0x3FB2] =	sst s5  }
0xe: {  	[smem:$0x3FB3] =	sst s6  }
0xf: {  	[smem:$0x3FB4] =	sst s7  }
0x10: {  	[smem:$0x3FB5] =	sst s8  }
0x11: {  	[smem:$0x3FB6] =	sst s9;
	s0 =	simm.s32 @!p0 $0x0  }
0x12: {  	s1 =	sld [smem:$0x3F9C];
	s0 =	simm.s32 @p0 $0x1  }
0x13: {  	[smem:$0x3FB7] =	sst s0;
	s0 =	simm.s32 @!p1 $0x0  }
0x14: {  	s2 =	sld [smem:$0x3F9B];
	s0 =	simm.s32 @p1 $0x1  }
0x15: {  	[smem:$0x3FB8] =	sst s0;
	s0 =	simm.s32 @!p2 $0x0  }
0x16: {  	s3 =	sld [smem:$0x3FDB];
	s0 =	simm.s32 @p2 $0x1  }
0x17: {  	s4 =	simm.s32 $0x1BF5;
	[smem:$0x3FBA] =	sst s0  }
0x18: {  	s0 =	sld [smem:$0x3F9D];
	_ =	swait.ge [sflag:s4], $0x0  }
0x19: {  	s7 =	sld [smem:$0x3F9E]  }
0x1a: {  	s8 =	sadd.s32 $0xFFFFE003, lr  }
0x1b: {  	s9 =	sadd.s32 $0xFFFFFEF7, lr;
	s5 =	simm.s32 $0xFFFFFFFF;
	p2 =	slt.u32 s8, $0xFFFFF086  }
0x1c: {  	p1 =	slt.u32 s9, $0xF7A;
	s5 =	simm.s32 @!p2 $0x0  }
0x1d: {  	s5 =	simm.s32 @p1 $0x1;
	p0 =	seq.s32 s7, s2  }
0x1e: {  	s7 =	smul.u32 @!p0 $0xF7A, s2;
	p2 =	seq.s32 @!p0 s5, $0x0  }
0x1f: {  	s9 =	smul.u32 $0xF7A, s1;
	s8 =	simm.s32 @!p0 $0x1BF5;
	p2 =	por !p2, p0  }
0x20: {  	[sflag:s8] =	ssyncset.s32 @!p0 $0xFFFFF086;
	s6 =	sadd.s32 @!p0 s3, s7;
	s7 =	simm.s32 @!p0 $0x108  }
0x21: {  	s3 =	sadd.s32 s3, s9;
	s6 =	sadd.s32 @!p0 $0x88, s6;
	s7 =	simm.s32 @p2 $0x1082  }
0x22: {  	[simem:s7], [sflag:s8] =	dma.local @!p0 [hbm:s6], $0xF7A  }
0x23: {  	s9 =	sor.u32 $0xD0000000, s2;
	s6 =	simm.s32 $0x108;
	_ =	swait.ge @!p0 [sflag:s8], $0x0  }
0x24: {  	s3 =	sadd.s32 $0x88, s3;
	s6 =	simm.s32 @!p1 $0x1082;
	[sflag:s4] =	ssyncset.s32 $0xFFFFF086  }
0x25: {  	[simem:s6], [sflag:s4] =	dma.local [hbm:s3], $0xF7A  }
0x26: {  	[smem:$0x3F9E] =	sst s1;
	(tag) =	ssettag s2;
	_ =	strace s9  }
0x27: {  	s1 =	sld [smem:$0x3FAE]  }
0x28: {  	s2 =	sld [smem:$0x3FAF]  }
0x29: {  	s4 =	sld [smem:$0x3FB1]  }
0x2a: {  	p0 =	seq.s32 s5, $0x0;
	s5 =	sld [smem:$0x3FB2]  }
0x2b: {  	s6 =	sld [smem:$0x3FB3]  }
0x2c: {  	s7 =	sld [smem:$0x3FB4]  }
0x2d: {  	s3 =	simm.s32 $0x108;
	s8 =	sld [smem:$0x3FB5]  }
0x2e: {  	s3 =	simm.s32 @!p0 $0x1082;
	s9 =	sld [smem:$0x3FB6]  }
0x2f: {  	lr =	sadd.s32 s0, s3;
	s0 =	sld [smem:$0x3FAD]  }
0x30: {  	s3 =	sld [smem:$0x3FB0]  }
0x31: {  	[smem:$0x3FB9] =	sst s10  }
0x32: {  	s10 =	sld [smem:$0x3FB7];
	_ =	sdelay $0x3  }
0x33: {  	p0 =	seq.s32 s10, $0x1;
	s10 =	sld [smem:$0x3FB9];
	_ =	sdelay $0x3  }
0x34: {  	[smem:$0x3FB9] =	sst s10  }
0x35: {  	s10 =	sld [smem:$0x3FB8];
	_ =	sdelay $0x3  }
0x36: {  	p1 =	seq.s32 s10, $0x1;
	s10 =	sld [smem:$0x3FB9];
	_ =	sdelay $0x3  }
0x37: {  	[smem:$0x3FB9] =	sst s10  }
0x38: {  	s10 =	sld [smem:$0x3FBA]  }
0x39: {  	_ = 	snop;
	(pc) =	sbr.ind lr, $3  }
0x3a: {  	_ = 	snop  }
0x3b: {  	_ = 	snop  }
0x3c: {  	p2 =	seq.s32 s10, $0x1;
	s10 =	sld [smem:$0x3FB9]  }
0x3d: {  	_ =	shalt  }
0x3e: {  	_ =	shalt  }
0x3f: {  	_ =	shalt  }
0x40: {  	_ =	shalt  }
0x41: {  	_ =	shalt  }
0x42: {  	_ =	shalt  }
0x43: {  	_ =	shalt  }
0x44: {  	_ =	shalt  }
0x45: {  	_ =	shalt  }
0x46: {  	_ =	shalt  }
0x47: {  	_ =	shalt  }
0x48: {  	_ =	shalt  }
0x49: {  	_ =	shalt  }
0x4a: {  	_ =	shalt  }
0x4b: {  	_ =	shalt  }
0x4c: {  	_ =	shalt  }
0x4d: {  	_ =	shalt  }
0x4e: {  	_ =	shalt  }
0x4f: {  	_ =	shalt  }
0x50: {  	_ =	shalt  }
0x51: {  	_ =	shalt  }
0x52: {  	_ =	shalt  }
0x53: {  	_ =	shalt  }
0x54: {  	_ =	shalt  }
0x55: {  	_ =	shalt  }
0x56: {  	_ =	shalt  }
0x57: {  	_ =	shalt  }
0x58: {  	_ =	shalt  }
0x59: {  	_ =	shalt  }
0x5a: {  	_ =	shalt  }
0x5b: {  	_ =	shalt  }
0x5c: {  	_ =	shalt  }
0x5d: {  	_ =	shalt  }
0x5e: {  	_ =	shalt  }
0x5f: {  	_ =	shalt  }
0x60: {  	_ =	shalt  }
0x61: {  	_ =	shalt  }
0x62: {  	_ =	shalt  }
0x63: {  	_ =	shalt  }
0x64: {  	_ =	shalt  }
0x65: {  	_ =	shalt  }
0x66: {  	_ =	shalt  }
0x67: {  	_ =	shalt  }
0x68: {  	_ =	shalt  }
0x69: {  	_ =	shalt  }
0x6a: {  	_ =	shalt  }
0x6b: {  	_ =	shalt  }
0x6c: {  	_ =	shalt  }
0x6d: {  	_ =	shalt  }
0x6e: {  	_ =	shalt  }
0x6f: {  	_ =	shalt  }
0x70: {  	_ =	shalt  }
0x71: {  	_ =	shalt  }
0x72: {  	_ =	shalt  }
0x73: {  	_ =	shalt  }
0x74: {  	_ =	shalt  }
0x75: {  	_ =	shalt  }
0x76: {  	_ =	shalt  }
0x77: {  	_ =	shalt  }
0x78: {  	_ =	shalt  }
0x79: {  	_ =	shalt  }
0x7a: {  	_ =	shalt  }
0x7b: {  	_ =	shalt  }
0x7c: {  	_ =	shalt  }
0x7d: {  	_ =	shalt  }
0x7e: {  	_ =	shalt  }
0x7f: {  	_ =	shalt  }
0x80: {  	_ =	shalt  }
0x81: {  	_ =	shalt  }
0x82: {  	_ =	shalt  }
0x83: {  	_ =	shalt  }
0x84: {  	_ =	shalt  }
0x85: {  	_ =	shalt  }
0x86: {  	_ =	shalt  }
0x87: {  	_ =	shalt  }
.Lfunc_end0:
.L_simem_size_0:
called_computation_lowered:
.L_overlay_start_0:
0x88: {  	s2 =	sld [smem:$0x3FD9]  }
0x89: {  	s3 =	sld [smem:$0x3FFE];
	_ =	sdelay $0x1  }
0x8a: {  	s1 =	srdreg.scid  }
0x8b: {  	s0 =	sand.u32 $0x1, s1  }
0x8c: {  	s18 =	sshll.u32 s0, $0xA;
	s2 =	sadd.s32 s3, s2  }
0x8d: {  	s2 =	sadd.s32 s2, s18  }
0x8e: {  	[smem:$0x3FC5] =	sst s2  }
0x8f: {  	_ = 	snop  }
0x90: {  	s2 =	sld [smem:$0x3FC9]  }
0x91: {  	s19 =	sld [smem:$0x3FD0];
	(tm) =	ssettm $0x1  }
0x92: {  	s4 =	sld [smem:$0x3FFB];
	_ =	sdelay $0x3  }
0x93: {  	_ =	strace s4  }
0x94: {  	s4 =	sld [smem:$0x3FFC];
	_ =	sdelay $0x3  }
0x95: {  	_ =	strace s4  }
0x96: {  	s4 =	sld [smem:$0x3FFD];
	_ =	sdelay $0x3  }
0x97: {  	_ =	strace s4  }
0x98: {  	_ =	strace $0x8FFFFFFF  }
0x99: {  	s20 =	sld [smem:$0x3FDB];
	_ =	sdelay $0x1  }
0x9a: {  	s5 =	simm.s32 $_scs_section_size  }
0x9b: {  	s6 =	simm.s32 $_size__tile_overlayer_lowered;
	s7 =	simm.s32 $_tile_overlayer_lowered  }
0x9c: {  	s23 =	simm.s32 $0x1BFF;
	s22 =	sshll.u32 s7, $0x1;
	s4 =	sadd.s32 s5, s20  }
0x9d: {  	s8 =	simm.s32 $0x0;
	s21 =	sshll.u32 s6, $0x1;
	s6 =	sadd.s32 s22, s4  }
0x9e: {  	[timem:s8], [sflag:s23] =	dma.local [hbm:s6], s21  }
0x9f: {  	_ =	swait.ge [sflag:s23], s21  }
0xa0: {  	s5 =	ssub.s32 $0x0, s21;
	[sflag:s23] =	ssyncset.done $0x0  }
0xa1: {  	[sflag:s23] =	ssyncadd.s32 s5;
	_ =	sdelay $0x1  }
0xa2: {  	s24 =	simm.s32 $0x1B8B  }
0xa3: {  	_ =	swait.ge [sflag:s24], $0x1  }
0xa4: {  	[sflag:s24] =	ssyncset.done $0x0  }
0xa5: {  	s25 =	simm.s32 $0x1B8E;
	[sflag:s24] =	ssyncadd.s32 $0xFFFFFFFF  }
0xa6: {  	s26 =	simm.s32 $execute0_lowered;
	[smem:$0x3FD2] =	sst s25  }
0xa7: {  	s5 =	sshll.u32 s26, $0x1;
	_ =	strace $0x80000046;
	[dreg:$0x1] =	wrdreg $0xFFFFFFFF  }
0xa8: {  	s28 =	simm.s32 $_size_execute0_lowered;
	s4 =	sadd.s32 s4, s5;
	[dreg:$0x0] =	wrdreg $0x0  }
0xa9: {  	s5 =	sshll.u32 s28, $0x1;
	[dreg:$0x2] =	wrdreg s4  }
0xaa: {  	[dreg:$0x3] =	wrdreg s5  }
0xab: {  	[dreg:$0x4] =	wrdreg $0xC0  }
0xac: {  	_ =	task [dreg:s8], $0x5FFFF  }
0xad: {  	[dreg:$0x1] =	wrdreg $0xFFFFFFFF  }
0xae: {  	[dreg:$0x0] =	wrdreg $0x60  }
0xaf: {  	[dreg:$0x2] =	wrdreg s2  }
0xb0: {  	[dreg:$0x3] =	wrdreg s19  }
0xb1: {  	[dreg:$0x4] =	wrdreg $0xA2800  }
0xb2: {  	[dreg:$0x5] =	wrdreg $0x9  }
0xb3: {  	_ =	task.clear_ibuf [dreg:s8], $0x6FFFF;
	_ =	strace $0x90000046  }
0xb4: {  	s29 =	simm.s32 $0x9;
	_ =	strace $0x80000048  }
0xb5: {  	_ =	swait.ge [sflag:s29], $0x1  }
0xb6: {  	[sflag:s29] =	ssyncadd.s32 $0xFFFFFFFF  }
0xb7: {  	_ =	strace $0x90000048  }
0xb8: {  	_ =	sfence  }
0xb9: {  	s30 =	sld [smem:$0x0];
	_ =	sdelay $0x2  }
0xba: {  	s31 =	sshll.u32 s1, $0xD;
	s1 =	sshrl.u32 s1, $0x2  }
0xbb: {  	s3 =	sand.u32 $0x4000, s31;
	s1 =	sadd.s32 s1, s30  }
0xbc: {  	s0 =	sor.u32 s3, s0;
	s1 =	sshll.u32 s1, $0x11  }
0xbd: {  	s0 =	sor.u32 s1, s0  }
0xbe: {  	s0 =	sadd.s32 $0x8F2B, s0  }
0xbf: {  	[sflag:s0] =	ssyncadd.remote.s32 $0x1  }
0xc0: {  	_ =	sfence.sel $0xFFFF  }
0xc1: {  	[dreg:$0x0] =	wrdreg $0xFFFFFFFF;
	(pc) =	sbr.abs _section_cstart, $3  }
0xc2: {  	[dreg:$0x1] =	wrdreg $0xFFFFFFFF  }
0xc3: {  	_ =	task.clear_ibuf [dreg:s8], $0x2FFFF;
	_ =	strace $0x9FFFFFFF  }
0xc4: {  	(tm) =	ssettm $0x7FFFFFFF  }
0xc5: {  	_ =	shalt  }
tec
execute0_lowered:
.L_overlay_start_1:
0x0: {  	(tag) =	ssettag $0x1  }
0x1: {  	s0 =	srdreg.scid  }
0x2: {  	s1 =	rddreg [dreg:$0x0];
	s9 =	stileid.u32  }
0x3: {  	s3 =	rddreg [dreg:$0x1];
	s18 =	smul.u32 $0x5000, s9  }
0x4: {  	s4 =	rddreg [dreg:$0x2];
	s7 =	simm.s32 $0x0;
	s22 =	smul.u32 $0x2710, s9  }
0x5: {  	s0 =	sand.u32 $0x1, s0;
	[smem:$0x7FF] =	sst s7;
	s23 =	smul.u32 $0x500, s9  }
0x6: {  	s8 =	sshrl.u32 s9, $0x3;
	s19 =	sshll.u32 s9, $0x7;
	s26 =	smul.u32 $0x4E20, s9  }
0x7: {  	s2 =	sshll.u32 s0, $0x4;
	s5 =	ssub.s32 $0x2, s0;
	s15 =	smul.u32 $0x50000, s8  }
0x8: {  	_ =	strace $0x80000047;
	s21 =	smul.u32 $0x27100, s0;
	s24 =	sshll.u32 s0, $0x7  }
0x9: {  	s0 =	smul.u32 $0x4E200, s0;
	s2 =	sor.u32 s9, s2;
	s12 =	sshrl.u32 s5, $0x1  }
0xa: {  	[dreg:$0x4] =	wrdreg s26;
	s2 =	smul.u32 $0x2710, s2;
	s5 =	ssub.s32 s5, s12  }
0xb: {  	s20 =	sshrl.u32 s15, $0x2;
	s25 =	sadd.s32 s22, s21;
	s21 =	simm.s32 $0x80  }
0xc: {  	s28 =	sand.u32 $0x7FF80, s25;
	s29 =	smax.u32 s5, $0x1;
	s6 =	sand.u32 $0x7FF80, s2  }
0xd: {  	s17 =	sand.u32 $0x70, s2;
	[dreg:$0x11] =	wrdreg s29;
	s6 =	smin.u32 s6, $0x4BA00  }
0xe: {  	[dreg:$0xb] =	wrdreg s17;
	s13 =	ssub.s32 s2, s6;
	s6 =	sshrl.u32 s6, $0x2  }
0xf: {  	s2 =	sand.u32 $0x380, s19;
	s7 =	sshll.u32 s13, $0x1;
	s1 =	sadd.s32 s1, s6  }
0x10: {  	s6 =	sadd.s32 s20, s4;
	s14 =	sand.u32 $0xFFFFFF00, s7;
	[dreg:$0xc] =	wrdreg s1  }
0x11: {  	s2 =	sadd.s32 s2, s6;
	s1 =	sshrl.u32 s18, $0x2;
	s6 =	smin.u32 s28, $0x4BA00  }
0x12: {  	s16 =	sor.u32 s17, s14;
	[dreg:$0xe] =	wrdreg s2;
	s1 =	sadd.s32 s1, s4  }
0x13: {  	s30 =	sshll.u32 s6, $0x1;
	s31 =	ssub.s32 s25, s6;
	[dreg:$0xd] =	wrdreg s16  }
0x14: {  	[dreg:$0xf] =	wrdreg s1;
	s1 =	sor.u32 s24, s23;
	s0 =	ssub.s32 s0, s30  }
0x15: {  	s1 =	sshrl.u32 s1, $0x3;
	[dreg:$0x12] =	wrdreg s0;
	s0 =	sadd.s32 $0x70, s31  }
0x16: {  	s22 =	simm.s32 $0x2;
	s1 =	sadd.s32 s3, s1;
	[dreg:$0x13] =	wrdreg s0  }
0x17: {  	v0 =	vimm.f32 $0.0e+00;
	v1 =	vimm.f32 $1.000000000e+00;
	s20 =	simm.s32 $0x5000;
	[dreg:$0x10] =	wrdreg s1;
	s1 =	simm.s32 $0x0  }
.LBB2_1:
0x18: {  	s0 =	simm.s32 $0x0;
	s31 =	rddreg [dreg:$0xc]  }
0x19: {  	[tilespmem:s0], [sflag:$0x1] =	stream.linear.gather [hbm4b:s31+s0], $0x5000, $0x38;
	[tilespmem:$0xCA80] =	vst v63  }
0x1a: {  	[dreg:$0x14] =	wrdreg s1;
	s0 =	simm.s32 $0x5040  }
0x1b: {  	[tilespmem:s0+$0xFFFFFFC0] =	vst v0  }
0x1c: {  	[tilespmem:s0+$0x30] =	vst v0  }
0x1d: {  	[tilespmem:s0+$0x20] =	vst v0  }
0x1e: {  	[tilespmem:s0+$0x10] =	vst v0  }
0x1f: {  	[tilespmem:s0+$0x0] =	vst v0  }
0x20: {  	[tilespmem:s0+$0xFFFFFFF0] =	vst v0  }
0x21: {  	s1 =	simm.s32 $0x0;
	[tilespmem:s0+$0xFFFFFFE0] =	vst v0  }
.LBB2_2:
0x22: {  	s1 =	sadd.s32 $0x8, s1;
	[tilespmem:s0+$0xFFFFFFD0] =	vst v0;
	s0 =	sadd.s32 $0x80, s0  }
0x23: {  	[tilespmem:s0+$0xFFFFFFC0] =	vst v0;
	p0 =	slt.u32 s1, $0x278  }
0x24: {  	[tilespmem:s0+$0x30] =	vst v0  }
.Ltmp0:
0x25: {  	[tilespmem:s0+$0x20] =	vst v0;
	(pc) =	sbr.rel @p0 .LBB2_2-.Ltmp0, $4  }
0x26: {  	[tilespmem:s0+$0x10] =	vst v0  }
0x27: {  	[tilespmem:s0+$0x0] =	vst v0  }
0x28: {  	[tilespmem:s0+$0xFFFFFFF0] =	vst v0  }
0x29: {  	[tilespmem:s0+$0xFFFFFFE0] =	vst v0  }
0x2a: {  	[tilespmem:s0+$0xFFFFFFD0] =	vst v0;
	s1 =	simm.s32 $0x1  }
0x2b: {  	_ =	swait.ge [sflag:s1], $0x5000  }
0x2c: {  	s19 =	rddreg [dreg:$0x4];
	[sflag:s1] =	ssyncset.done $0x0  }
0x2d: {  	s0 =	simm.s32 $0x0;
	s18 =	rddreg [dreg:$0x12];
	[sflag:s1] =	ssyncadd.s32 $0xFFFFB000  }
0x2e: {  	s23 =	sadd.s32 s18, s19;
	s19 =	rddreg [dreg:$0x13];
	s1 =	smov.u32 s18  }
0x2f: {  	s2 =	sadd.s32 $0x20, s23;
	s3 =	sadd.s32 $0xE0, s23;
	s4 =	sadd.s32 $0x40, s23  }
0x30: {  	s5 =	sand.u32 $0x70, s19;
	s6 =	sadd.s32 $0x60, s23;
	s3 =	sand.u32 $0xFFFFFF00, s3  }
0x31: {  	s7 =	sadd.s32 $0x80, s23;
	s24 =	sadd.s32 $0xFFFFFFA0, s19;
	s3 =	sor.u32 s5, s3  }
0x32: {  	s8 =	sadd.s32 $0xA0, s23;
	s9 =	sadd.s32 $0xC0, s23;
	s10 =	sadd.s32 $0xFFFFFFB0, s19;
	v2 =	vld [tilespmem:s3+$0x80]  }
0x33: {  	s11 =	sadd.s32 $0xFFFFFFC0, s19;
	s12 =	sadd.s32 $0xFFFFFFD0, s19;
	s13 =	sadd.s32 $0xFFFFFFE0, s19  }
0x34: {  	s14 =	sadd.s32 $0xFFFFFFF0, s19;
	s2 =	sand.u32 $0xFFFFFF00, s2;
	s4 =	sand.u32 $0xFFFFFF00, s4  }
0x35: {  	s6 =	sand.u32 $0xFFFFFF00, s6;
	s15 =	sand.u32 $0xFFFFFF00, s7;
	s25 =	sand.u32 $0xFFFFFF00, s8  }
0x36: {  	s16 =	sand.u32 $0xFFFFFF00, s9;
	s26 =	sand.u32 $0x70, s10;
	s28 =	sand.u32 $0x70, s11  }
0x37: {  	s29 =	sand.u32 $0x70, s12;
	s30 =	sand.u32 $0x70, s13;
	s31 =	sand.u32 $0x70, s14  }
0x38: {  	s5 =	sand.u32 $0x70, s24;
	s8 =	sor.u32 s26, s4;
	s7 =	sor.u32 s28, s6  }
0x39: {  	s6 =	sor.u32 s29, s15;
	s4 =	sor.u32 s31, s16;
	s3 =	sand.u32 $0xFFFFFF00, s23  }
0x3a: {  	s9 =	sor.u32 s5, s2;
	s5 =	sor.u32 s30, s25;
	s2 =	smov.u32 s19;
	[tilespmem:v2+s20+$0x0] =	vst.idx.add.f32.msk $0xffff, v1  }
.LBB2_4:
0x3b: {  	v2 =	vld [tilespmem:s9+$0x80]  }
0x3c: {  	s10 =	rddreg [dreg:$0x4];
	v3 =	vld [tilespmem:s8+$0x80]  }
0x3d: {  	s0 =	sadd.s32 $0x8, s0;
	s3 =	sor.u32 s3, s17;
	v4 =	vld [tilespmem:s7+$0x80];
	s1 =	sadd.s32 $0x100, s1  }
0x3e: {  	v5 =	vld [tilespmem:s6+$0x80];
	s2 =	sadd.s32 $0x80, s2;
	p0 =	slt.u32 s0, $0x268;
	s19 =	sadd.s32 s1, s10  }
0x3f: {  	v6 =	vld [tilespmem:s5+$0x80];
	s26 =	sand.u32 $0x70, s2;
	s29 =	sadd.s32 $0xFFFFFFA0, s2;
	s24 =	sadd.s32 $0xE0, s19  }
0x40: {  	v7 =	vld [tilespmem:s4+$0x80];
	s30 =	sadd.s32 $0xFFFFFFB0, s2;
	s13 =	sadd.s32 $0xFFFFFFC0, s2;
	s8 =	sand.u32 $0xFFFFFF00, s24  }
0x41: {  	v8 =	vld [tilespmem:s3+$0x80];
	s14 =	sadd.s32 $0xFFFFFFD0, s2;
	s15 =	sadd.s32 $0xFFFFFFE0, s2;
	s8 =	sor.u32 s26, s8  }
0x42: {  	s16 =	sadd.s32 $0xFFFFFFF0, s2;
	s23 =	sadd.s32 $0x20, s19;
	s25 =	sadd.s32 $0x40, s19;
	v9 =	vld [tilespmem:s8+$0x80]  }
0x43: {  	s28 =	sadd.s32 $0x60, s19;
	s10 =	sadd.s32 $0x80, s19;
	s11 =	sadd.s32 $0xA0, s19;
	[tilespmem:v2+s20+$0x0] =	vst.idx.add.f32.msk $0xffff, v1  }
0x44: {  	s12 =	sadd.s32 $0xC0, s19;
	s3 =	sand.u32 $0xFFFFFF00, s19;
	s31 =	sand.u32 $0x70, s29;
	[tilespmem:v3+s20+$0x0] =	vst.idx.add.f32.msk $0xffff, v1  }
0x45: {  	s13 =	sand.u32 $0x70, s13;
	s14 =	sand.u32 $0x70, s14;
	s15 =	sand.u32 $0x70, s15;
	[tilespmem:v4+s20+$0x0] =	vst.idx.add.f32.msk $0xffff, v1  }
.Ltmp1:
0x46: {  	s16 =	sand.u32 $0x70, s16;
	s6 =	sand.u32 $0xFFFFFF00, s23;
	[tilespmem:v5+s20+$0x0] =	vst.idx.add.f32.msk $0xffff, v1;
	(pc) =	sbr.rel @p0 .LBB2_4-.Ltmp1, $4  }
0x47: {  	s5 =	sand.u32 $0xFFFFFF00, s25;
	s4 =	sand.u32 $0xFFFFFF00, s28;
	s10 =	sand.u32 $0xFFFFFF00, s10;
	[tilespmem:v6+s20+$0x0] =	vst.idx.add.f32.msk $0xffff, v1  }
0x48: {  	s11 =	sand.u32 $0xFFFFFF00, s11;
	s12 =	sand.u32 $0xFFFFFF00, s12;
	s9 =	sor.u32 s31, s6;
	[tilespmem:v7+s20+$0x0] =	vst.idx.add.f32.msk $0xffff, v1  }
0x49: {  	s7 =	sor.u32 s13, s4;
	s6 =	sor.u32 s14, s10;
	s8 =	sand.u32 $0x70, s30;
	[tilespmem:v8+s20+$0x0] =	vst.idx.add.f32.msk $0xffff, v1  }
0x4a: {  	s4 =	sor.u32 s16, s12;
	s8 =	sor.u32 s8, s5;
	s5 =	sor.u32 s15, s11;
	[tilespmem:v9+s20+$0x0] =	vst.idx.add.f32.msk $0xffff, v1  }
0x4b: {  	v2 =	vld [tilespmem:s9+$0x80]  }
0x4c: {  	v3 =	vld [tilespmem:s8+$0x80]  }
0x4d: {  	v4 =	vld [tilespmem:s7+$0x80]  }
0x4e: {  	v5 =	vld [tilespmem:s6+$0x80]  }
0x4f: {  	v6 =	vld [tilespmem:s5+$0x80]  }
0x50: {  	s0 =	sor.u32 s3, s17;
	v7 =	vld [tilespmem:s4+$0x80]  }
0x51: {  	v8 =	vld [tilespmem:s0+$0x80];
	_ =	sdelay $0x1  }
0x52: {  	[tilespmem:v2+s20+$0x0] =	vst.idx.add.f32.msk $0xffff, v1  }
0x53: {  	[tilespmem:v3+s20+$0x0] =	vst.idx.add.f32.msk $0xffff, v1  }
0x54: {  	[tilespmem:v4+s20+$0x0] =	vst.idx.add.f32.msk $0xffff, v1  }
0x55: {  	[tilespmem:v5+s20+$0x0] =	vst.idx.add.f32.msk $0xffff, v1  }
0x56: {  	[tilespmem:v6+s20+$0x0] =	vst.idx.add.f32.msk $0xffff, v1  }
0x57: {  	[tilespmem:v7+s20+$0x0] =	vst.idx.add.f32.msk $0xffff, v1  }
0x58: {  	[tilespmem:v8+s20+$0x0] =	vst.idx.add.f32.msk $0xffff, v1  }
0x59: {  	s2 =	rddreg [dreg:$0xd]  }
0x5a: {  	v2 =	vld [tilespmem:s2+$0x4E80];
	_ =	sdelay $0x7  }
0x5b: {  	s1 =	simm.s32 $0x400;
	s3 =	rddreg [dreg:$0xe];
	[tilespmem:v2+s20+$0x0] =	vst.idx.add.f32.msk $0xffff, v1  }
0x5c: {  	[spmem:s3] =	stream.strided.scatter [tilespmem:s20], [sflag:$0x2], $0x2800, s1, s21, $0x38;
	[tilespmem:$0xCA80] =	vst v63  }
0x5d: {  	_ =	swait.ge [sflag:s22], $0x2800  }
0x5e: {  	[sflag:s22] =	ssyncset.done $0x0  }
0x5f: {  	[sflag:s22] =	ssyncadd.s32 $0xFFFFD800  }
0x60: {  	s5 =	simm.s32 $0x1400;
	s6 =	simm.s32 $0x7800;
	[bflag:$0x0] =	sbarrier.arrive $0xFFFF  }
0x61: {  	s24 =	simm.s32 $0x0;
	s2 =	simm.s32 $0x14000;
	s4 =	rddreg [dreg:$0xf]  }
0x62: {  	[tilespmem:s6], [sflag:$0x2] =	stream.strided.gather [spmem:s4], $0x2800, s2, s5, $0x38;
	[tilespmem:$0xCA80] =	vst v63  }
0x63: {  	s0 =	sand.u32 $0x40, s24;
	s7 =	sand.u32 $0x1C00, s24;
	_ =	swait.ge [sflag:s22], $0x2800  }
0x64: {  	s13 =	sadd.s32 $0x7800, s7;
	s23 =	sor.u32 $0x30, s0;
	[sflag:s22] =	ssyncset.done $0x0  }
0x65: {  	s14 =	sor.u32 s23, s13;
	[sflag:s22] =	ssyncadd.s32 $0xFFFFD800  }
0x66: {  	v11 =	vld [tilespmem:s14+$0x0]  }
0x67: {  	s15 =	sor.u32 s0, s13;
	v12 =	vld [tilespmem:s14+$0x80]  }
0x68: {  	v13 =	vld [tilespmem:s15+$0x0]  }
0x69: {  	v14 =	vld [tilespmem:s14+$0x100]  }
0x6a: {  	s25 =	sor.u32 $0x10, s0;
	v15 =	vld [tilespmem:s15+$0x80]  }
0x6b: {  	s16 =	sor.u32 s25, s13;
	v16 =	vld [tilespmem:s14+$0x180]  }
0x6c: {  	v17 =	vld [tilespmem:s16+$0x0]  }
0x6d: {  	v18 =	vld [tilespmem:s14+$0x200]  }
0x6e: {  	s26 =	sor.u32 $0x20, s0;
	v19 =	vld [tilespmem:s16+$0x80]  }
0x6f: {  	s2 =	sor.u32 s26, s13;
	v20 =	vld [tilespmem:s14+$0x280]  }
0x70: {  	v21 =	vld [tilespmem:s2+$0x0]  }
0x71: {  	v22 =	vld [tilespmem:s14+$0x300]  }
0x72: {  	v23 =	vld [tilespmem:s2+$0x80]  }
0x73: {  	s17 =	sadd.s32 $0x8C00, s7;
	v10 =	vld [tilespmem:s14+$0x380]  }
0x74: {  	s18 =	sor.u32 s23, s17;
	v24 =	vld [tilespmem:s15+$0x100]  }
0x75: {  	s19 =	sadd.s32 $0x8C80, s7;
	v9 =	vld [tilespmem:s18+$0x0]  }
0x76: {  	s10 =	sadd.s32 $0x8E00, s7;
	s20 =	sor.u32 s23, s19;
	v25 =	vld [tilespmem:s16+$0x100]  }
0x77: {  	s28 =	sor.u32 s23, s10;
	v6 =	vld [tilespmem:s20+$0x0]  }
0x78: {  	s8 =	sadd.s32 $0x8D00, s7;
	v2 =	vld [tilespmem:s28+$0x0]  }
0x79: {  	s21 =	sor.u32 s23, s8;
	v26 =	vld [tilespmem:s2+$0x100]  }
0x7a: {  	s9 =	sadd.s32 $0x8D80, s7;
	v8 =	vld [tilespmem:s21+$0x0]  }
0x7b: {  	s22 =	sor.u32 s23, s9;
	v27 =	vld [tilespmem:s15+$0x180]  }
0x7c: {  	s11 =	sadd.s32 $0x8E80, s7;
	v7 =	vld [tilespmem:s22+$0x0]  }
0x7d: {  	s29 =	sor.u32 s23, s11;
	v28 =	vld [tilespmem:s16+$0x180];
	[tilespmem:$0x1FFC0] =	vst v2  }
0x7e: {  	v2 =	vld [tilespmem:s29+$0x0];
	_ =	sdelay $0x3  }
0x7f: {  	s12 =	sadd.s32 $0x8F00, s7  }
0x80: {  	s30 =	sor.u32 s23, s12;
	v29 =	vld [tilespmem:s2+$0x180];
	[tilespmem:$0x1FFD0] =	vst v2  }
0x81: {  	v2 =	vld [tilespmem:s30+$0x0];
	_ =	sdelay $0x3  }
0x82: {  	s1 =	sadd.s32 $0x8F80, s7  }
0x83: {  	s13 =	sor.u32 s23, s1;
	v30 =	vld [tilespmem:s15+$0x200];
	[tilespmem:$0x1FFE0] =	vst v2  }
0x84: {  	v2 =	vld [tilespmem:s13+$0x0];
	_ =	sdelay $0x4  }
0x85: {  	v31 =	vld [tilespmem:s16+$0x200];
	[tilespmem:$0x1FFF0] =	vst v2  }
0x86: {  	v32 =	vld [tilespmem:s2+$0x200]  }
0x87: {  	v33 =	vld [tilespmem:s15+$0x280]  }
0x88: {  	v34 =	vld [tilespmem:s16+$0x280]  }
0x89: {  	v35 =	vld [tilespmem:s2+$0x280]  }
0x8a: {  	v36 =	vld [tilespmem:s15+$0x300]  }
0x8b: {  	v37 =	vld [tilespmem:s16+$0x300]  }
0x8c: {  	v38 =	vld [tilespmem:s2+$0x300]  }
0x8d: {  	v39 =	vld [tilespmem:s15+$0x380]  }
0x8e: {  	v40 =	vld [tilespmem:s16+$0x380]  }
0x8f: {  	s14 =	sor.u32 s0, s17;
	v41 =	vld [tilespmem:s2+$0x380]  }
0x90: {  	s18 =	sor.u32 s25, s19;
	v42 =	vld [tilespmem:s14+$0x0]  }
0x91: {  	s20 =	sor.u32 s0, s8;
	v46 =	vld [tilespmem:s18+$0x0]  }
0x92: {  	s21 =	sor.u32 s25, s8;
	v48 =	vld [tilespmem:s20+$0x0]  }
0x93: {  	s22 =	sor.u32 s26, s8;
	v49 =	vld [tilespmem:s21+$0x0]  }
0x94: {  	s28 =	sor.u32 s0, s9;
	v50 =	vld [tilespmem:s22+$0x0]  }
0x95: {  	s29 =	sor.u32 s25, s9;
	v51 =	vld [tilespmem:s28+$0x0]  }
0x96: {  	s30 =	sor.u32 s26, s9;
	v52 =	vld [tilespmem:s29+$0x0]  }
0x97: {  	s4 =	sor.u32 s0, s10;
	v53 =	vld [tilespmem:s30+$0x0]  }
0x98: {  	s5 =	sor.u32 s25, s10;
	v54 =	vld [tilespmem:s4+$0x0]  }
0x99: {  	s6 =	sor.u32 s26, s10;
	v55 =	vld [tilespmem:s5+$0x0]  }
0x9a: {  	s7 =	sor.u32 s0, s11;
	v56 =	vld [tilespmem:s6+$0x0]  }
0x9b: {  	s8 =	sor.u32 s25, s11;
	v57 =	vld [tilespmem:s7+$0x0]  }
0x9c: {  	s9 =	sor.u32 s26, s11;
	v58 =	vld [tilespmem:s8+$0x0]  }
0x9d: {  	s10 =	sor.u32 s0, s12;
	v59 =	vld [tilespmem:s9+$0x0]  }
0x9e: {  	s11 =	sor.u32 s25, s12;
	v60 =	vld [tilespmem:s10+$0x0]  }
0x9f: {  	s13 =	sor.u32 s26, s12;
	v61 =	vld [tilespmem:s11+$0x0]  }
0xa0: {  	s15 =	sor.u32 s25, s17;
	v62 =	vld [tilespmem:s13+$0x0]  }
0xa1: {  	s16 =	sor.u32 s26, s17;
	v43 =	vld [tilespmem:s15+$0x0]  }
0xa2: {  	s17 =	sor.u32 s0, s19;
	v44 =	vld [tilespmem:s16+$0x0]  }
0xa3: {  	s19 =	sor.u32 s26, s19;
	v45 =	vld [tilespmem:s17+$0x0]  }
0xa4: {  	s0 =	sor.u32 s0, s1;
	s14 =	simm.s32 $0x200;
	s29 =	simm.s32 $0x40;
	v47 =	vld [tilespmem:s19+$0x0]  }
0xa5: {  	s15 =	sor.u32 s25, s1;
	s30 =	sand.u32 $0x40, s29;
	s16 =	sand.u32 $0x1C00, s14;
	v63 =	vld [tilespmem:s0+$0x0]  }
0xa6: {  	s19 =	sor.u32 s26, s1;
	s20 =	sadd.s32 $0x7800, s16;
	s28 =	sor.u32 $0x30, s30;
	v4 =	vld [tilespmem:s15+$0x0]  }
0xa7: {  	v11 =	vadd.f32 v12, v11;
	v5 =	vld [tilespmem:s19+$0x0];
	s21 =	sor.u32 s28, s20  }
0xa8: {  	v12 =	vld [tilespmem:s21+$0x0]  }
0xa9: {  	v11 =	vadd.f32 v14, v11;
	s22 =	sor.u32 s30, s20;
	v14 =	vld [tilespmem:s21+$0x80]  }
0xaa: {  	v3 =	vld [tilespmem:s22+$0x0]  }
0xab: {  	v11 =	vadd.f32 v16, v11;
	v16 =	vld [tilespmem:s21+$0x100]  }
0xac: {  	v2 =	vld [tilespmem:s21+$0x180]  }
0xad: {  	v11 =	vadd.f32 v18, v11;
	v18 =	vld [tilespmem:s21+$0x200]  }
0xae: {  	v13 =	vadd.f32 v15, v13;
	v15 =	vld [tilespmem:s21+$0x280]  }
0xaf: {  	v17 =	vadd.f32 v19, v17;
	v11 =	vadd.f32 v20, v11;
	s6 =	sadd.s32 $0x8C00, s16;
	v19 =	vld [tilespmem:s21+$0x300]  }
0xb0: {  	v13 =	vadd.f32 v24, v13;
	v20 =	vadd.f32 v23, v21;
	s19 =	sadd.s32 $0x8C80, s16;
	s7 =	sor.u32 s28, s6;
	v21 =	vld [tilespmem:s21+$0x380]  }
0xb1: {  	v17 =	vadd.f32 v25, v17;
	v11 =	vadd.f32 v22, v11;
	s18 =	sadd.s32 $0x8D00, s16;
	s8 =	sor.u32 s28, s19;
	v22 =	vld [tilespmem:s7+$0x0]  }
0xb2: {  	v13 =	vadd.f32 v27, v13;
	s17 =	sadd.s32 $0x8D80, s16;
	s9 =	sor.u32 s28, s18;
	v23 =	vld [tilespmem:s8+$0x0]  }
0xb3: {  	v10 =	vadd.f32 v10, v11;
	v11 =	vadd.f32 v28, v17;
	s15 =	sadd.s32 $0x8E00, s16;
	s10 =	sor.u32 s28, s17;
	v17 =	vld [tilespmem:s9+$0x0]  }
0xb4: {  	v30 =	vadd.f32 v30, v13;
	s2 =	sadd.s32 $0x8E80, s16;
	s11 =	sor.u32 s28, s15;
	v13 =	vld [tilespmem:s10+$0x0]  }
0xb5: {  	v31 =	vadd.f32 v31, v11;
	s12 =	sor.u32 s28, s2;
	v11 =	vld [tilespmem:s11+$0x0]  }
0xb6: {  	v20 =	vadd.f32 v26, v20;
	v9 =	vadd.f32 v9, v10;
	s0 =	sor.u32 $0x10, s30;
	v10 =	vld [tilespmem:s12+$0x0]  }
0xb7: {  	s14 =	sor.u32 s0, s20;
	v26 =	vld [tilespmem:s22+$0x80]  }
0xb8: {  	v20 =	vadd.f32 v29, v20;
	v27 =	vld [tilespmem:s14+$0x0]  }
0xb9: {  	s1 =	sadd.s32 $0x8F00, s16;
	v28 =	vld [tilespmem:s22+$0x100]  }
0xba: {  	s31 =	sadd.s32 $0x8F80, s16;
	s13 =	sor.u32 s28, s1;
	v29 =	vld [tilespmem:s14+$0x100];
	v20 =	vadd.f32 v32, v20;
	v24 =	vadd.f32 v33, v30  }
0xbb: {  	s5 =	sor.u32 s28, s31;
	v33 =	vadd.f32 v6, v9;
	v25 =	vadd.f32 v34, v31;
	v9 =	vld [tilespmem:s13+$0x0]  }
0xbc: {  	v6 =	vld [tilespmem:s5+$0x0];
	v20 =	vadd.f32 v35, v20;
	v24 =	vadd.f32 v36, v24  }
0xbd: {  	v30 =	vld [tilespmem:s22+$0x180];
	v8 =	vadd.f32 v8, v33;
	v25 =	vadd.f32 v37, v25  }
0xbe: {  	v31 =	vld [tilespmem:s14+$0x180];
	v20 =	vadd.f32 v38, v20;
	v24 =	vadd.f32 v39, v24  }
0xbf: {  	v32 =	vld [tilespmem:s22+$0x200];
	v7 =	vadd.f32 v7, v8;
	v8 =	vadd.f32 v40, v25  }
0xc0: {  	v34 =	vld [tilespmem:s22+$0x280];
	v20 =	vadd.f32 v41, v20;
	v24 =	vadd.f32 v42, v24  }
0xc1: {  	v33 =	vld [tilespmem:s14+$0x200];
	v12 =	vadd.f32 v14, v12;
	v8 =	vadd.f32 v43, v8  }
0xc2: {  	v35 =	vld [tilespmem:s14+$0x280];
	v20 =	vadd.f32 v44, v20;
	v24 =	vadd.f32 v45, v24  }
0xc3: {  	v36 =	vld [tilespmem:s22+$0x300];
	v3 =	vadd.f32 v26, v3;
	v8 =	vadd.f32 v46, v8  }
0xc4: {  	v25 =	vld [tilespmem:s14+$0x80];
	v20 =	vadd.f32 v47, v20;
	v24 =	vadd.f32 v48, v24  }
0xc5: {  	v14 =	vld [tilespmem:s22+$0x380];
	v12 =	vadd.f32 v16, v12;
	v8 =	vadd.f32 v49, v8  }
0xc6: {  	s4 =	sor.u32 $0x20, s30;
	v38 =	vld [tilespmem:s14+$0x380];
	v20 =	vadd.f32 v50, v20;
	v24 =	vadd.f32 v51, v24  }
0xc7: {  	s3 =	sor.u32 s4, s20;
	v42 =	vld [tilespmem:$0x1FFC0];
	v3 =	vadd.f32 v28, v3;
	v8 =	vadd.f32 v52, v8  }
0xc8: {  	v43 =	vld [tilespmem:s3+$0x200];
	v20 =	vadd.f32 v53, v20;
	v24 =	vadd.f32 v54, v24  }
0xc9: {  	v45 =	vld [tilespmem:$0x1FFD0];
	v2 =	vadd.f32 v2, v12;
	v8 =	vadd.f32 v55, v8  }
0xca: {  	v46 =	vld [tilespmem:s3+$0x300];
	v20 =	vadd.f32 v56, v20;
	v24 =	vadd.f32 v57, v24  }
0xcb: {  	v3 =	vadd.f32 v30, v3;
	v48 =	vld [tilespmem:$0x1FFE0];
	v8 =	vadd.f32 v58, v8  }
0xcc: {  	v58 =	vadd.f32 v59, v20;
	v59 =	vadd.f32 v60, v24;
	v60 =	vld [tilespmem:s3+$0x0]  }
0xcd: {  	v44 =	vadd.f32 v25, v27;
	v8 =	vadd.f32 v61, v8;
	v61 =	vld [tilespmem:s3+$0x80]  }
0xce: {  	v2 =	vadd.f32 v18, v2;
	v47 =	vld [tilespmem:s3+$0x380];
	v3 =	vadd.f32 v32, v3  }
0xcf: {  	s21 =	sor.u32 s0, s6;
	v7 =	vadd.f32 v42, v7;
	v42 =	vld [tilespmem:s3+$0x100];
	v18 =	vadd.f32 v29, v44  }
0xd0: {  	v49 =	vld [tilespmem:s21+$0x0];
	v2 =	vadd.f32 v15, v2;
	v3 =	vadd.f32 v34, v3  }
0xd1: {  	v7 =	vadd.f32 v45, v7;
	v4 =	vadd.f32 v4, v8;
	v8 =	vld [tilespmem:s3+$0x180]  }
0xd2: {  	s22 =	sor.u32 s4, s6;
	v51 =	vld [tilespmem:$0x1FFF0];
	v18 =	vadd.f32 v31, v18;
	v12 =	vadd.f32 v61, v60  }
0xd3: {  	s16 =	sor.u32 s30, s6;
	s6 =	sor.u32 s0, s19;
	v50 =	vld [tilespmem:s22+$0x0];
	v2 =	vadd.f32 v19, v2;
	v3 =	vadd.f32 v36, v3  }
0xd4: {  	v52 =	vld [tilespmem:s6+$0x0];
	v7 =	vadd.f32 v48, v7;
	v12 =	vadd.f32 v42, v12  }
0xd5: {  	v45 =	vld [tilespmem:s3+$0x280];
	v18 =	vadd.f32 v33, v18;
	v2 =	vadd.f32 v21, v2  }
0xd6: {  	s7 =	sor.u32 s4, s19;
	v57 =	vld [tilespmem:s14+$0x300];
	v3 =	vadd.f32 v14, v3;
	v8 =	vadd.f32 v8, v12  }
0xd7: {  	s8 =	sor.u32 s30, s18;
	v54 =	vld [tilespmem:s7+$0x0];
	v7 =	vadd.f32 v51, v7;
	v2 =	vadd.f32 v22, v2  }
0xd8: {  	v55 =	vld [tilespmem:s8+$0x0];
	v16 =	vadd.f32 v62, v58;
	v8 =	vadd.f32 v43, v8  }
0xd9: {  	s9 =	sor.u32 s0, s18;
	v48 =	vld [tilespmem:s16+$0x0];
	v53 =	vadd.f32 v35, v18;
	v2 =	vadd.f32 v23, v2  }
0xda: {  	s5 =	sor.u32 s30, s19;
	v56 =	vld [tilespmem:s9+$0x0];
	v5 =	vadd.f32 v5, v16;
	v8 =	vadd.f32 v45, v8  }
0xdb: {  	s11 =	sor.u32 s30, s17;
	v51 =	vld [tilespmem:s5+$0x0];
	v2 =	vadd.f32 v17, v2;
	v16 =	vadd.f32 v57, v53  }
0xdc: {  	s12 =	sor.u32 s0, s17;
	v20 =	vadd.f32 v63, v59;
	v58 =	vld [tilespmem:s11+$0x0];
	v8 =	vadd.f32 v46, v8  }
0xdd: {  	s13 =	sor.u32 s4, s17;
	s17 =	sor.u32 s0, s15;
	v59 =	vld [tilespmem:s12+$0x0];
	v2 =	vadd.f32 v13, v2;
	v16 =	vadd.f32 v38, v16  }
0xde: {  	s10 =	sor.u32 s4, s18;
	v3 =	vadd.f32 v48, v3;
	v62 =	vld [tilespmem:s17+$0x0];
	v8 =	vadd.f32 v47, v8  }
0xdf: {  	v57 =	vld [tilespmem:s10+$0x0];
	v2 =	vadd.f32 v11, v2;
	v11 =	vadd.f32 v49, v16  }
0xe0: {  	s16 =	sand.u32 $0x380, s24;
	s14 =	sor.u32 s30, s15;
	v3 =	vadd.f32 v51, v3;
	v60 =	vld [tilespmem:s13+$0x0];
	v8 =	vadd.f32 v50, v8  }
0xe1: {  	s22 =	sor.u32 s30, s2;
	s18 =	sor.u32 $0xA000, s16;
	v61 =	vld [tilespmem:s14+$0x0];
	v2 =	vadd.f32 v10, v2;
	v10 =	vadd.f32 v52, v11  }
0xe2: {  	s29 =	sand.u32 $0x380, s29;
	s19 =	sor.u32 s4, s15;
	s3 =	sor.u32 s23, s18;
	v63 =	vld [tilespmem:s22+$0x0];
	v3 =	vadd.f32 v55, v3;
	v8 =	vadd.f32 v54, v8  }
0xe3: {  	s24 =	sor.u32 s0, s2;
	s20 =	sor.u32 s25, s18;
	s25 =	sor.u32 s30, s1;
	[tilespmem:s3+$0x0] =	vst v7;
	v11 =	vld [tilespmem:s19+$0x0];
	v9 =	vadd.f32 v9, v2;
	v10 =	vadd.f32 v56, v10  }
0xe4: {  	s2 =	sor.u32 s4, s2;
	s21 =	sor.u32 s26, s18;
	s26 =	sor.u32 s0, s1;
	[tilespmem:s20+$0x0] =	vst v4;
	v4 =	vld [tilespmem:s25+$0x0];
	v7 =	vadd.f32 v57, v8;
	v8 =	vadd.f32 v58, v3  }
0xe5: {  	s1 =	sor.u32 s4, s1;
	s23 =	simm.s32 $0xA000;
	s18 =	sor.u32 s4, s31;
	v6 =	vadd.f32 v6, v9;
	v9 =	vadd.f32 v59, v10;
	v3 =	vld [tilespmem:s24+$0x0]  }
0xe6: {  	s20 =	sor.u32 s0, s31;
	[tilespmem:s23+$0x0] =	vst v20;
	s25 =	simm.s32 $0x400;
	v2 =	vld [tilespmem:s2+$0x0];
	s2 =	sor.u32 $0xA000, s29;
	v7 =	vadd.f32 v60, v7;
	v10 =	vadd.f32 v61, v8  }
0xe7: {  	[tilespmem:s21+$0x0] =	vst v5;
	v5 =	vld [tilespmem:s26+$0x0];
	s26 =	simm.s32 $0x80;
	s19 =	sor.u32 s30, s31;
	s30 =	sor.u32 s28, s2;
	v9 =	vadd.f32 v62, v9  }
0xe8: {  	s31 =	sor.u32 s0, s2;
	s15 =	sor.u32 s4, s2;
	[tilespmem:s30+$0x0] =	vst v6;
	v6 =	vld [tilespmem:s1+$0x0];
	s24 =	simm.s32 $0x4;
	v8 =	vadd.f32 v11, v7;
	v7 =	vadd.f32 v63, v10  }
.LBB2_6:
0xe9: {  	s17 =	sand.u32 $0x40, s26;
	s21 =	sand.u32 $0x1C00, s25;
	v10 =	vld [tilespmem:s19+$0x0]  }
0xea: {  	s2 =	sadd.s32 $0x7800, s21;
	s1 =	sor.u32 $0x30, s17;
	v3 =	vadd.f32 v3, v9;
	v9 =	vld [tilespmem:s20+$0x0]  }
0xeb: {  	s3 =	sor.u32 s1, s2;
	v4 =	vadd.f32 v4, v7;
	v7 =	vld [tilespmem:s18+$0x0]  }
0xec: {  	v2 =	vadd.f32 v2, v8;
	v8 =	vld [tilespmem:s3+$0x0]  }
0xed: {  	s28 =	sor.u32 s17, s2;
	v3 =	vadd.f32 v5, v3;
	v5 =	vld [tilespmem:s3+$0x80]  }
0xee: {  	v2 =	vadd.f32 v6, v2;
	v6 =	vld [tilespmem:s28+$0x0]  }
0xef: {  	v4 =	vadd.f32 v10, v4;
	v10 =	vld [tilespmem:s3+$0x100]  }
0xf0: {  	s23 =	sadd.s32 $0x40, s23;
	v3 =	vadd.f32 v9, v3;
	v9 =	vld [tilespmem:s28+$0x80];
	v2 =	vadd.f32 v7, v2  }
0xf1: {  	[tilespmem:s23+$0x0] =	vst v4;
	v4 =	vld [tilespmem:s3+$0x180]  }
0xf2: {  	s29 =	sor.u32 $0x10, s17;
	[tilespmem:s15+$0x0] =	vst v2;
	v2 =	vld [tilespmem:s3+$0x200]  }
0xf3: {  	s0 =	sor.u32 s29, s2;
	[tilespmem:s31+$0x0] =	vst v3;
	v5 =	vadd.f32 v5, v8;
	v8 =	vld [tilespmem:s3+$0x280]  }
0xf4: {  	v3 =	vld [tilespmem:s0+$0x0]  }
0xf5: {  	s30 =	sor.u32 $0x20, s17;
	v7 =	vld [tilespmem:s0+$0x80]  }
0xf6: {  	s2 =	sor.u32 s30, s2;
	v11 =	vld [tilespmem:s0+$0x100];
	v5 =	vadd.f32 v10, v5  }
0xf7: {  	v10 =	vld [tilespmem:s2+$0x80]  }
0xf8: {  	v6 =	vadd.f32 v9, v6;
	v9 =	vld [tilespmem:s2+$0x0];
	v4 =	vadd.f32 v4, v5  }
0xf9: {  	v5 =	vld [tilespmem:s3+$0x300]  }
0xfa: {  	s4 =	sadd.s32 $0x8C00, s21;
	v2 =	vadd.f32 v2, v4;
	v4 =	vld [tilespmem:s3+$0x380]  }
0xfb: {  	s12 =	sor.u32 s1, s4;
	v3 =	vadd.f32 v7, v3;
	v7 =	vld [tilespmem:s28+$0x100]  }
0xfc: {  	v2 =	vadd.f32 v8, v2;
	v8 =	vld [tilespmem:s12+$0x0]  }
0xfd: {  	s5 =	sadd.s32 $0x8C80, s21;
	v3 =	vadd.f32 v11, v3;
	v11 =	vld [tilespmem:s0+$0x180]  }
0xfe: {  	s15 =	sor.u32 s1, s5;
	v2 =	vadd.f32 v5, v2;
	v5 =	vadd.f32 v10, v9;
	v10 =	vld [tilespmem:s2+$0x100]  }
0xff: {  	s16 =	sadd.s32 $0x8D00, s21;
	v9 =	vld [tilespmem:s15+$0x0]  }
0x100: {  	s19 =	sor.u32 s1, s16;
	s20 =	sadd.s32 $0x8D80, s21;
	v2 =	vadd.f32 v4, v2;
	v4 =	vadd.f32 v7, v6;
	v7 =	vld [tilespmem:s28+$0x180]  }
0x101: {  	s10 =	sor.u32 s17, s4;
	s6 =	sor.u32 s1, s20;
	v6 =	vld [tilespmem:s19+$0x0]  }
0x102: {  	s7 =	sadd.s32 $0x8E00, s21;
	s13 =	sor.u32 s17, s5;
	[dreg:$0x8] =	wrdreg s10;
	v2 =	vadd.f32 v8, v2;
	v8 =	vld [tilespmem:s6+$0x0]  }
0x103: {  	s14 =	sor.u32 s29, s5;
	s8 =	sor.u32 s1, s7;
	[dreg:$0x9] =	wrdreg s13;
	v5 =	vadd.f32 v10, v5;
	v10 =	vld [tilespmem:s2+$0x180]  }
0x104: {  	[dreg:$0x6] =	wrdreg s14;
	s18 =	sor.u32 s29, s16;
	v2 =	vadd.f32 v9, v2;
	v9 =	vld [tilespmem:s8+$0x0]  }
0x105: {  	s14 =	sor.u32 s30, s5;
	[dreg:$0xa] =	wrdreg s18;
	s15 =	sadd.s32 $0x8E80, s21;
	v4 =	vadd.f32 v7, v4;
	v7 =	vld [tilespmem:s28+$0x200]  }
0x106: {  	s22 =	sor.u32 s17, s20;
	s18 =	sor.u32 s1, s15;
	s19 =	sadd.s32 $0x8F00, s21;
	v3 =	vadd.f32 v11, v3;
	v11 =	vld [tilespmem:s0+$0x200];
	v2 =	vadd.f32 v6, v2  }
0x107: {  	s10 =	sor.u32 s29, s20;
	s9 =	sor.u32 s30, s20;
	s20 =	sor.u32 s1, s19;
	v6 =	vld [tilespmem:s18+$0x0]  }
0x108: {  	s13 =	sor.u32 s17, s7;
	s31 =	sadd.s32 $0x8F80, s21;
	s12 =	sor.u32 s17, s16;
	v2 =	vadd.f32 v8, v2;
	v8 =	vld [tilespmem:s20+$0x0]  }
0x109: {  	s3 =	sor.u32 s17, s19;
	s5 =	sor.u32 s29, s19;
	s21 =	sor.u32 s30, s19;
	v5 =	vadd.f32 v10, v5;
	v10 =	vld [tilespmem:s2+$0x200]  }
0x10a: {  	s19 =	sor.u32 s17, s31;
	s6 =	sor.u32 s17, s15;
	s17 =	sor.u32 s1, s31;
	v2 =	vadd.f32 v9, v2;
	v4 =	vadd.f32 v7, v4;
	v7 =	vld [tilespmem:s0+$0x280]  }
0x10b: {  	v9 =	vld [tilespmem:s17+$0x0]  }
0x10c: {  	v2 =	vadd.f32 v6, v2;
	v6 =	vld [tilespmem:s28+$0x280]  }
0x10d: {  	v3 =	vadd.f32 v11, v3;
	v11 =	vld [tilespmem:s28+$0x300]  }
0x10e: {  	v2 =	vadd.f32 v8, v2;
	v8 =	vld [tilespmem:s2+$0x280]  }
0x10f: {  	s17 =	sand.u32 $0x380, s26;
	v3 =	vadd.f32 v7, v3;
	v7 =	vld [tilespmem:s0+$0x380]  }
0x110: {  	s17 =	sor.u32 $0xA000, s17;
	v2 =	vadd.f32 v9, v2;
	v9 =	vld [tilespmem:s0+$0x300]  }
0x111: {  	s11 =	sor.u32 s29, s4;
	s1 =	sor.u32 s1, s17;
	v5 =	vadd.f32 v10, v5;
	v4 =	vadd.f32 v6, v4;
	v6 =	vld [tilespmem:s2+$0x300]  }
0x112: {  	[dreg:$0x5] =	wrdreg s11;
	[tilespmem:s1+$0x0] =	vst v2;
	v2 =	vld [tilespmem:s28+$0x380]  }
0x113: {  	s4 =	sor.u32 s30, s4;
	s1 =	rddreg [dreg:$0x8];
	v5 =	vadd.f32 v8, v5;
	v8 =	vld [tilespmem:s2+$0x380]  }
0x114: {  	[dreg:$0x7] =	wrdreg s4;
	v10 =	vld [tilespmem:s1+$0x0]  }
0x115: {  	s4 =	sor.u32 s30, s15;
	s8 =	sor.u32 s29, s15;
	v4 =	vadd.f32 v11, v4;
	s2 =	rddreg [dreg:$0x5];
	v11 =	vld [tilespmem:s6+$0x0]  }
0x116: {  	s18 =	sor.u32 s30, s31;
	s20 =	sor.u32 s29, s31;
	s28 =	rddreg [dreg:$0x9];
	v3 =	vadd.f32 v9, v3;
	v9 =	vld [tilespmem:s2+$0x0]  }
0x117: {  	s31 =	sor.u32 s29, s17;
	s15 =	sor.u32 s30, s17;
	s17 =	rddreg [dreg:$0x7];
	v5 =	vadd.f32 v6, v5;
	v6 =	vld [tilespmem:s28+$0x0]  }
0x118: {  	s11 =	sor.u32 s29, s7;
	s29 =	rddreg [dreg:$0x6];
	v2 =	vadd.f32 v2, v4;
	v4 =	vld [tilespmem:s17+$0x0]  }
0x119: {  	v3 =	vadd.f32 v7, v3;
	v7 =	vld [tilespmem:s29+$0x0]  }
0x11a: {  	v5 =	vadd.f32 v8, v5;
	v8 =	vld [tilespmem:s14+$0x0]  }
0x11b: {  	s7 =	sor.u32 s30, s7;
	s16 =	sor.u32 s30, s16;
	s30 =	rddreg [dreg:$0xa];
	v2 =	vadd.f32 v10, v2;
	v10 =	vld [tilespmem:s12+$0x0]  }
0x11c: {  	v3 =	vadd.f32 v9, v3;
	v9 =	vld [tilespmem:s30+$0x0]  }
0x11d: {  	v2 =	vadd.f32 v6, v2;
	v6 =	vld [tilespmem:s22+$0x0]  }
0x11e: {  	v4 =	vadd.f32 v4, v5;
	v5 =	vld [tilespmem:s16+$0x0]  }
0x11f: {  	v3 =	vadd.f32 v7, v3;
	v7 =	vld [tilespmem:s10+$0x0]  }
0x120: {  	v2 =	vadd.f32 v10, v2;
	v10 =	vld [tilespmem:s13+$0x0]  }
0x121: {  	v4 =	vadd.f32 v8, v4;
	v8 =	vld [tilespmem:s9+$0x0]  }
0x122: {  	s24 =	sadd.s32 $0x4, s24;
	v3 =	vadd.f32 v9, v3;
	v9 =	vld [tilespmem:s11+$0x0]  }
0x123: {  	p0 =	slt.u32 s24, $0x24;
	v2 =	vadd.f32 v6, v2;
	v6 =	vld [tilespmem:s7+$0x0]  }
.Ltmp2:
0x124: {  	v4 =	vadd.f32 v5, v4;
	v5 =	vadd.f32 v7, v3;
	v3 =	vld [tilespmem:s8+$0x0];
	(pc) =	sbr.rel @p0 .LBB2_6-.Ltmp2, $4  }
0x125: {  	v10 =	vadd.f32 v10, v2;
	v2 =	vld [tilespmem:s4+$0x0]  }
0x126: {  	v7 =	vadd.f32 v8, v4;
	v4 =	vld [tilespmem:s3+$0x0]  }
0x127: {  	v9 =	vadd.f32 v9, v5;
	v5 =	vld [tilespmem:s5+$0x0]  }
0x128: {  	s25 =	sadd.s32 $0x200, s25;
	s26 =	sadd.s32 $0x40, s26;
	v8 =	vadd.f32 v6, v7;
	v7 =	vadd.f32 v11, v10;
	v6 =	vld [tilespmem:s21+$0x0]  }
0x129: {  	v10 =	vld [tilespmem:s19+$0x0]  }
0x12a: {  	v11 =	vld [tilespmem:s20+$0x0]  }
0x12b: {  	v3 =	vadd.f32 v3, v9;
	v63 =	vld [tilespmem:s18+$0x0]  }
0x12c: {  	v2 =	vadd.f32 v2, v8;
	v4 =	vadd.f32 v4, v7  }
0x12d: {  	v3 =	vadd.f32 v5, v3  }
0x12e: {  	v2 =	vadd.f32 v6, v2;
	v4 =	vadd.f32 v10, v4  }
0x12f: {  	s0 =	sadd.s32 $0x40, s23;
	v3 =	vadd.f32 v11, v3  }
0x130: {  	v2 =	vadd.f32 v63, v2;
	[tilespmem:s0+$0x0] =	vst v4  }
0x131: {  	[tilespmem:s31+$0x0] =	vst v3  }
0x132: {  	s21 =	simm.s32 $0x80;
	s1 =	simm.s32 $0x100;
	[tilespmem:s15+$0x0] =	vst v2  }
0x133: {  	s2 =	simm.s32 $0xA000;
	s22 =	simm.s32 $0x2;
	s0 =	rddreg [dreg:$0x10]  }
0x134: {  	[hbm4b:s0+s21] =	stream.strided.scatter [tilespmem:s2], [sflag:$0x2], $0x280, s1, s21, $0x38;
	[tilespmem:$0xCA80] =	vst v63  }
0x135: {  	_ =	swait.ge [sflag:s22], $0x280  }
0x136: {  	s30 =	rddreg [dreg:$0x14]  }
0x137: {  	s31 =	rddreg [dreg:$0x11];
	s1 =	sadd.s32 $0x1, s30  }
0x138: {  	p0 =	sne.s32 s1, s31  }
.Ltmp3:
0x139: {  	_ = 	snop;
	(pc) =	sbr.rel @p0 .LBB2_1-.Ltmp3, $3  }
0x13a: {  	_ =	sdelay $0x1  }
0x13b: {  	[sflag:s22] =	ssyncset.done $0x0  }
0x13c: {  	s20 =	simm.s32 $0x5000;
	s17 =	rddreg [dreg:$0xb];
	[sflag:s22] =	ssyncadd.s32 $0xFFFFFD80  }
0x13d: {  	_ =	sfence.sel $0x180000  }
0x13e: {  	[bflag:$0x0] =	sbarrier.arrive $0xFFFF  }
0x13f: {  	_ =	strace $0x90000047  }
0x140: {  	s0 =	stileid.u32;
	[bflag:$0x2] =	sbarrier.arrive $0xFFFF  }
0x141: {  	p0 =	sne.s32 s0, $0x0;
	s0 =	rddreg [dreg:$0x3]  }
0x142: {  	s0 =	sadd.s32 @!p0 $0x100000, s0  }
0x143: {  	[sflag:s0] =	ssyncadd.tile.s32 @!p0 $0x1;
	_ =	shalt  }
.Lfunc_end2:
_tile_overlayer_lowered:
.L_overlay_start_2:
0x144: {  	(tag) =	ssettag $0x2  }
0x145: {  	s0 =	rddreg [dreg:$0x0];
	s2 =	stileid.u32  }
0x146: {  	s1 =	rddreg [dreg:$0x1];
	p0 =	sne.s32 s2, $0x0  }
0x147: {  	s3 =	rddreg [dreg:$0x2];
	[bflag:$0x3] =	sbarrier.arrive $0xFFFF;
	s2 =	simm.s32 @!p0 $0x1C02  }
0x148: {  	[timem:s3], [sflag:s2] =	dma.local @!p0 [hbm:s0], s1  }
0x149: {  	s0 =	simm.s32 @!p0 $0x2  }
0x14a: {  	_ =	swait.ge @!p0 [sflag:s0], s1  }
0x14b: {  	s1 =	ssub.s32 @!p0 $0x0, s1;
	[sflag:s0] =	ssyncset.done @!p0 $0x0  }
0x14c: {  	[sflag:s0] =	ssyncadd.s32 @!p0 s1  }
0x14d: {  	[bflag:$0x3] =	sbarrier.arrive $0xFFFF  }
0x14e: {  	_ =	shalt  }

</sc_bundles>
